<compile_context>
chip_gen: v7x
topology: tpu7x:2x2x1
jax: 0.10.2.dev20260603
libtpu: 0.0.44.dev20260713+nightly
codegen_flags: <defaults>
</compile_context>

<pallas_src>
import functools
import jax
import jax.numpy as jnp
from jax import lax
from jax.experimental import pallas as pl
from jax.experimental.pallas import tpu as pltpu
from jax.experimental.pallas import tpu_sc as plsc

_N = 10000
_F = 128
_H = 128
_E = 320000
_NC = 2
_NS = 16
_NW = _NC * _NS
_NPAD = 10240
_RPS = _NPAD // _NS
_CB = 128
_EW = _E // _NW
_CH = 80
_EWP = _CH * _CB
_BM = 1024
_GRID = _NPAD // _BM

_mesh = plsc.VectorSubcoreMesh(
    core_axis_name="c", subcore_axis_name="s", num_cores=_NC, num_subcores=_NS
)



@functools.partial(
    pl.kernel,
    out_type=jax.ShapeDtypeStruct((_NC, _NPAD), jnp.float32),
    mesh=_mesh,
    scratch_types=[
        pltpu.VMEM((_CH, _CB), jnp.int32),
        pltpu.VMEM((_CB,), jnp.float32),
        pltpu.VMEM((_RPS,), jnp.float32),
        pltpu.VMEM_SHARED((_NPAD,), jnp.float32),
    ],
)
def _deg_kernel(dst_hbm, out_hbm, idx_v, ones_v, zeros_v, acc_sh):
    cid = lax.axis_index("c")
    sid = lax.axis_index("s")
    wid = sid * _NC + cid
    one16 = jnp.ones((16,), jnp.float32)
    zero16 = jnp.zeros((16,), jnp.float32)
    for i in range(_CB // 16):
        ones_v[pl.ds(i * 16, 16)] = one16

    @pl.loop(0, _RPS // 16)
    def _zfill(i):
        zeros_v[pl.ds(i * 16, 16)] = zero16

    pltpu.sync_copy(zeros_v, acc_sh.at[pl.ds(sid * _RPS, _RPS)])
    plsc.subcore_barrier()
    pltpu.sync_copy(dst_hbm.at[wid], idx_v)

    @pl.loop(0, _CH)
    def _scat(k):
        pltpu.sync_copy(ones_v, acc_sh.at[idx_v.at[k]], add=True)

    plsc.subcore_barrier()

    @pl.when(sid == 0)
    def _out():
        pltpu.sync_copy(acc_sh, out_hbm.at[cid])


@functools.partial(
    pl.kernel,
    out_type=jax.ShapeDtypeStruct((_NC, _NS, _RPS, _H), jnp.float32),
    mesh=_mesh,
    scratch_types=[
        pltpu.VMEM((_CH, _CB), jnp.int32),
        pltpu.VMEM((_CH, _CB), jnp.int32),
        pltpu.VMEM((_CB, _H), jnp.float32),
        pltpu.VMEM_SHARED((_NPAD, _H), jnp.float32),
        pltpu.SemaphoreType.DMA,
    ],
)
def _agg_kernel(y_hbm, src_hbm, dst_hbm, out_hbm,
                src_v, dst_v, rows_v, acc_sh, sem):
    cid = lax.axis_index("c")
    sid = lax.axis_index("s")
    wid = sid * _NC + cid
    zero16 = jnp.zeros((16,), jnp.float32)

    @pl.loop(0, _CB)
    def _zfill(i):
        for j in range(_H // 16):
            rows_v[i, pl.ds(j * 16, 16)] = zero16

    for j in range(_RPS // _CB):
        pltpu.sync_copy(rows_v, acc_sh.at[pl.ds(sid * _RPS + j * _CB, _CB)])
    plsc.subcore_barrier()

    pltpu.sync_copy(src_hbm.at[wid], src_v)
    pltpu.sync_copy(dst_hbm.at[wid], dst_v)

    @pl.loop(0, _CH)
    def _scat(k):
        pltpu.async_copy(y_hbm.at[src_v.at[k]], rows_v, sem).wait()
        pltpu.sync_copy(rows_v, acc_sh.at[dst_v.at[k]], add=True)

    plsc.subcore_barrier()
    pltpu.sync_copy(acc_sh.at[pl.ds(sid * _RPS, _RPS)], out_hbm.at[cid].at[sid])



def _dinv_of(d0_ref, d1_ref):
    return lax.rsqrt(d0_ref[...] + d1_ref[...] + 1.0)


def _tc1_body(x_ref, d0_ref, d1_ref, w_ref, y_ref):
    dinv = _dinv_of(d0_ref, d1_ref)
    y_ref[...] = jnp.dot(
        x_ref[...], w_ref[...], preferred_element_type=jnp.float32
    ) * dinv


def _tc2_body(pa_ref, pb_ref, y_ref, d0_ref, d1_ref, b_ref, w_ref, y2_ref):
    dinv = _dinv_of(d0_ref, d1_ref)
    h = jnp.maximum(
        (pa_ref[...] + pb_ref[...] + y_ref[...]) * dinv + b_ref[...], 0.0
    )
    y2_ref[...] = jnp.dot(
        h, w_ref[...], preferred_element_type=jnp.float32
    ) * dinv


def _tc3_body(pa_ref, pb_ref, y_ref, d0_ref, d1_ref, b_ref, wd_ref, out_ref):
    dinv = _dinv_of(d0_ref, d1_ref)
    h = jnp.maximum(
        (pa_ref[...] + pb_ref[...] + y_ref[...]) * dinv + b_ref[...], 0.0
    )
    out_ref[...] = jnp.sum(h * wd_ref[...], axis=1).reshape(_BM // 128, 128)


_blk_spec = pl.BlockSpec((_BM, _H), lambda i: (i, 0))
_deg_spec = pl.BlockSpec((_BM, 1), lambda i: (i, 0))
_row_spec = pl.BlockSpec((1, _H), lambda i: (0, 0))
_mat_spec = pl.BlockSpec((_H, _H), lambda i: (0, 0))
_blk_shape = jax.ShapeDtypeStruct((_NPAD, _H), jnp.float32)

_tc1 = pl.pallas_call(
    _tc1_body,
    grid=(_GRID,),
    in_specs=[_blk_spec, _deg_spec, _deg_spec, _mat_spec],
    out_specs=_blk_spec,
    out_shape=_blk_shape,
)

_tc2 = pl.pallas_call(
    _tc2_body,
    grid=(_GRID,),
    in_specs=[_blk_spec, _blk_spec, _blk_spec, _deg_spec, _deg_spec,
              _row_spec, _mat_spec],
    out_specs=_blk_spec,
    out_shape=_blk_shape,
)

_tc3 = pl.pallas_call(
    _tc3_body,
    grid=(_GRID,),
    in_specs=[_blk_spec, _blk_spec, _blk_spec, _deg_spec, _deg_spec,
              _row_spec, _row_spec],
    out_specs=pl.BlockSpec((_BM // 128, 128), lambda i: (i, 0)),
    out_shape=jax.ShapeDtypeStruct((_NPAD // 128, 128), jnp.float32),
)



@jax.jit
def kernel(x, edge_index, W1, b1, W2, b2, Wd, bd):
    src = edge_index[0].astype(jnp.int32)
    dst = edge_index[1].astype(jnp.int32)
    srcw = jnp.pad(src.reshape(_NW, _EW), ((0, 0), (0, _EWP - _EW)))
    srcw = srcw.reshape(_NW, _CH, _CB)
    dstw = jnp.pad(
        dst.reshape(_NW, _EW), ((0, 0), (0, _EWP - _EW)), constant_values=_N
    ).reshape(_NW, _CH, _CB)

    degp = _deg_kernel(dstw)
    d0 = degp[0].reshape(_NPAD, 1)
    d1 = degp[1].reshape(_NPAD, 1)
    xp = jnp.pad(x, ((0, _NPAD - _N), (0, 0)))
    y1 = _tc1(xp, d0, d1, W1)
    p1 = _agg_kernel(y1, srcw, dstw)
    p1a = p1[0].reshape(_NPAD, _H)
    p1b = p1[1].reshape(_NPAD, _H)
    y2 = _tc2(p1a, p1b, y1, d0, d1, b1.reshape(1, _H), W2)
    p2 = _agg_kernel(y2, srcw, dstw)
    p2a = p2[0].reshape(_NPAD, _H)
    p2b = p2[1].reshape(_NPAD, _H)
    outg = _tc3(p2a, p2b, y2, d0, d1, b2.reshape(1, _H), Wd.reshape(1, _H))
    return outg.reshape(_NPAD)[:_N] + bd[0]

# --- scband reference (transcript-rebuilt; emitter-appended) ---
"""Pipeline reference for scband-gcnexplainer-wrapper-43989055045752 (READ-ONLY COPY).

The authoritative reference and input builder live on the scoring server;
editing this copy changes nothing except your own understanding.
"""

import jax, jax.numpy as jnp
import numpy as np

N = 10000
E = 320000
F = 128
H = 128


def _gcn_conv(x, src, dst, W, b, n_nodes):
    # PyG GCNConv: out = D^{-1/2} (A + I) D^{-1/2} X W + b
    # (self loops already appended to src/dst by caller)
    x_lin = x @ W
    deg = jnp.zeros((n_nodes,), dtype=x.dtype).at[dst].add(1.0)
    dinv = jnp.where(deg > 0, jax.lax.rsqrt(deg), 0.0)
    norm = dinv[src] * dinv[dst]
    msg = x_lin[src] * norm[:, None]
    out = jnp.zeros((n_nodes, W.shape[1]), dtype=x.dtype).at[dst].add(msg)
    return out + b


def setup_inputs(seed: int = 0) -> dict:
    key = jax.random.key(seed)
    ks = jax.random.split(key, 8)
    x = jax.random.normal(ks[0], (N, F), dtype=jnp.float32)
    edge_index = jax.random.randint(ks[1], (2, E), 0, N)
    W1 = jax.random.normal(ks[2], (F, H), dtype=jnp.float32) * (1.0 / np.sqrt(F))
    b1 = jnp.zeros((H,), dtype=jnp.float32)
    W2 = jax.random.normal(ks[3], (H, H), dtype=jnp.float32) * (1.0 / np.sqrt(H))
    b2 = jnp.zeros((H,), dtype=jnp.float32)
    Wd = jax.random.normal(ks[4], (H, 1), dtype=jnp.float32) * (1.0 / np.sqrt(H))
    bd = jnp.zeros((1,), dtype=jnp.float32)
    return {"x": x, "edge_index": edge_index, "W1": W1, "b1": b1, "W2": W2, "b2": b2, "Wd": Wd, "bd": bd}


def reference(x, edge_index, W1, b1, W2, b2, Wd, bd):
    n_nodes = x.shape[0]
    loop = jnp.arange(n_nodes, dtype=edge_index.dtype)
    src = jnp.concatenate([edge_index[0], loop])
    dst = jnp.concatenate([edge_index[1], loop])
    h = _gcn_conv(x, src, dst, W1, b1, n_nodes)
    h = jax.nn.relu(h)
    # gcn_dropout is identity in eval mode (self.eval() in __init__)
    h = _gcn_conv(h, src, dst, W2, b2, n_nodes)
    h = jax.nn.relu(h)
    pred = (h @ Wd + bd).squeeze(-1)
    return pred

if __name__ == "__main__":
    import jax
    _d = setup_inputs()
    print(jax.jit(kernel)(*tuple(_d.values())))

</pallas_src>

<mosaic_0001>
#map = affine_map<(d0, d1) -> (0, 0)>
#map1 = affine_map<(d0, d1) -> (0, 0, 0)>
#map2 = affine_map<(d0, d1) -> (0, 0, 0, 0)>
module attributes {stable_mosaic.version = 14 : i64} {
  func.func @_agg_kernel(%arg0: i32, %arg1: i32, %arg2: memref<10240x128xf32, #tpu.memory_space<hbm>>, %arg3: memref<32x80x128xi32, #tpu.memory_space<hbm>>, %arg4: memref<32x80x128xi32, #tpu.memory_space<hbm>>, %arg5: memref<2x16x640x128xf32, #tpu.memory_space<hbm>>, %arg6: memref<80x128xi32, #tpu.memory_space<vmem>>, %arg7: memref<80x128xi32, #tpu.memory_space<vmem>>, %arg8: memref<128x128xf32, #tpu.memory_space<vmem>>, %arg9: memref<10240x128xf32, #tpu.memory_space<vmem_shared>>, %arg10: memref<!tpu.dma_semaphore, #tpu.memory_space<semaphore_mem>>) attributes {dimension_semantics = [#tpu.dimension_semantics<core_parallel>, #tpu.dimension_semantics<subcore_parallel>], iteration_bounds = array<i64: 2, 16>, scalar_prefetch = 0 : i64, scratch_operands = 5 : i64, tpu.core_type = #tpu.core_type<sc_vector_subcore>, window_params = [{transform_indices = #map}, {transform_indices = #map1}, {transform_indices = #map1}, {transform_indices = #map2}]} {
    %mul3A = arith.constant 2 : i32
    %mul3A_0 = arith.muli %arg1, %mul3A : i32
    %add3A = arith.addi %mul3A_0, %arg0 : i32
    %broadcast_in_dim3A = arith.constant 0.000000e+00 : f32
    %broadcast_in_dim3A_1 = vector.broadcast %broadcast_in_dim3A : f32 to vector<16xf32>
    %scan3A = arith.constant 0 : i32
    %scan3A_2 = arith.constant 128 : i32
    %scan3A_3 = arith.addi %scan3A, %scan3A_2 : i32
    %scan3A_4 = arith.constant 1 : i32
    scf.for %scan3A_34 = %scan3A to %scan3A_3 step %scan3A_4  : i32 {
      %mul3A_35 = arith.constant 1 : i32
      %mul3A_36 = arith.muli %scan3A_34, %mul3A_35 : i32
      %add3A_37 = arith.constant 0 : i32
      %add3A_38 = arith.addi %add3A_37, %mul3A_36 : i32
      %swap3A = arith.index_cast %add3A_38 : i32 to index
      %swap3A_39 = arith.constant 0 : index
      %swap3A_40 = tpu.vector_load %arg8[%swap3A, %swap3A_39] {strides = array<i32>} : memref<128x128xf32, #tpu.memory_space<vmem>>, vector<1x16xf32>,
      %swap3A_41 = vector.shape_cast %swap3A_40 : vector<1x16xf32> to vector<16xf32>
      %swap3A_42 = vector.shape_cast %broadcast_in_dim3A_1 : vector<16xf32> to vector<1x16xf32>
      tpu.vector_store %arg8[%swap3A, %swap3A_39], %swap3A_42 {strides = array<i32>} : memref<128x128xf32, #tpu.memory_space<vmem>>, vector<1x16xf32>,
      %swap3A_43 = arith.index_cast %add3A_38 : i32 to index
      %swap3A_44 = arith.constant 16 : index
      %swap3A_45 = tpu.vector_load %arg8[%swap3A_43, %swap3A_44] {strides = array<i32>} : memref<128x128xf32, #tpu.memory_space<vmem>>, vector<1x16xf32>,
      %swap3A_46 = vector.shape_cast %swap3A_45 : vector<1x16xf32> to vector<16xf32>
      %swap3A_47 = vector.shape_cast %broadcast_in_dim3A_1 : vector<16xf32> to vector<1x16xf32>
      tpu.vector_store %arg8[%swap3A_43, %swap3A_44], %swap3A_47 {strides = array<i32>} : memref<128x128xf32, #tpu.memory_space<vmem>>, vector<1x16xf32>,
      %swap3A_48 = arith.index_cast %add3A_38 : i32 to index
      %swap3A_49 = arith.constant 32 : index
      %swap3A_50 = tpu.vector_load %arg8[%swap3A_48, %swap3A_49] {strides = array<i32>} : memref<128x128xf32, #tpu.memory_space<vmem>>, vector<1x16xf32>,
      %swap3A_51 = vector.shape_cast %swap3A_50 : vector<1x16xf32> to vector<16xf32>
      %swap3A_52 = vector.shape_cast %broadcast_in_dim3A_1 : vector<16xf32> to vector<1x16xf32>
      tpu.vector_store %arg8[%swap3A_48, %swap3A_49], %swap3A_52 {strides = array<i32>} : memref<128x128xf32, #tpu.memory_space<vmem>>, vector<1x16xf32>,
      %swap3A_53 = arith.index_cast %add3A_38 : i32 to index
      %swap3A_54 = arith.constant 48 : index
      %swap3A_55 = tpu.vector_load %arg8[%swap3A_53, %swap3A_54] {strides = array<i32>} : memref<128x128xf32, #tpu.memory_space<vmem>>, vector<1x16xf32>,
      %swap3A_56 = vector.shape_cast %swap3A_55 : vector<1x16xf32> to vector<16xf32>
      %swap3A_57 = vector.shape_cast %broadcast_in_dim3A_1 : vector<16xf32> to vector<1x16xf32>
      tpu.vector_store %arg8[%swap3A_53, %swap3A_54], %swap3A_57 {strides = array<i32>} : memref<128x128xf32, #tpu.memory_space<vmem>>, vector<1x16xf32>,
      %swap3A_58 = arith.index_cast %add3A_38 : i32 to index
      %swap3A_59 = arith.constant 64 : index
      %swap3A_60 = tpu.vector_load %arg8[%swap3A_58, %swap3A_59] {strides = array<i32>} : memref<128x128xf32, #tpu.memory_space<vmem>>, vector<1x16xf32>,
      %swap3A_61 = vector.shape_cast %swap3A_60 : vector<1x16xf32> to vector<16xf32>
      %swap3A_62 = vector.shape_cast %broadcast_in_dim3A_1 : vector<16xf32> to vector<1x16xf32>
      tpu.vector_store %arg8[%swap3A_58, %swap3A_59], %swap3A_62 {strides = array<i32>} : memref<128x128xf32, #tpu.memory_space<vmem>>, vector<1x16xf32>,
      %swap3A_63 = arith.index_cast %add3A_38 : i32 to index
      %swap3A_64 = arith.constant 80 : index
      %swap3A_65 = tpu.vector_load %arg8[%swap3A_63, %swap3A_64] {strides = array<i32>} : memref<128x128xf32, #tpu.memory_space<vmem>>, vector<1x16xf32>,
      %swap3A_66 = vector.shape_cast %swap3A_65 : vector<1x16xf32> to vector<16xf32>
      %swap3A_67 = vector.shape_cast %broadcast_in_dim3A_1 : vector<16xf32> to vector<1x16xf32>
      tpu.vector_store %arg8[%swap3A_63, %swap3A_64], %swap3A_67 {strides = array<i32>} : memref<128x128xf32, #tpu.memory_space<vmem>>, vector<1x16xf32>,
      %swap3A_68 = arith.index_cast %add3A_38 : i32 to index
      %swap3A_69 = arith.constant 96 : index
      %swap3A_70 = tpu.vector_load %arg8[%swap3A_68, %swap3A_69] {strides = array<i32>} : memref<128x128xf32, #tpu.memory_space<vmem>>, vector<1x16xf32>,
      %swap3A_71 = vector.shape_cast %swap3A_70 : vector<1x16xf32> to vector<16xf32>
      %swap3A_72 = vector.shape_cast %broadcast_in_dim3A_1 : vector<16xf32> to vector<1x16xf32>
      tpu.vector_store %arg8[%swap3A_68, %swap3A_69], %swap3A_72 {strides = array<i32>} : memref<128x128xf32, #tpu.memory_space<vmem>>, vector<1x16xf32>,
      %swap3A_73 = arith.index_cast %add3A_38 : i32 to index
      %swap3A_74 = arith.constant 112 : index
      %swap3A_75 = tpu.vector_load %arg8[%swap3A_73, %swap3A_74] {strides = array<i32>} : memref<128x128xf32, #tpu.memory_space<vmem>>, vector<1x16xf32>,
      %swap3A_76 = vector.shape_cast %swap3A_75 : vector<1x16xf32> to vector<16xf32>
      %swap3A_77 = vector.shape_cast %broadcast_in_dim3A_1 : vector<16xf32> to vector<1x16xf32>
      tpu.vector_store %arg8[%swap3A_73, %swap3A_74], %swap3A_77 {strides = array<i32>} : memref<128x128xf32, #tpu.memory_space<vmem>>, vector<1x16xf32>,
    }
    %scan3A_5 = arith.constant 128 : i32
    %mul3A_6 = arith.constant 640 : i32
    %mul3A_7 = arith.muli %arg1, %mul3A_6 : i32
    %add3A_8 = arith.constant 0 : i32
    %add3A_9 = arith.addi %mul3A_7, %add3A_8 : i32
    "tpu.region"() ({
      %run_scoped3A = tpu.sem_alloc : memref<!tpu.dma_semaphore, #tpu.memory_space<semaphore_mem>>
      %dma_start3A = arith.constant 0 : i32
      %dma_start3A_34 = tpu.memref_slice %arg9[%add3A_9, %dma_start3A] : memref<10240x128xf32, #tpu.memory_space<vmem_shared>> -> memref<128x128xf32, #tpu.memory_space<vmem_shared>>
      %dma_start3A_35 = arith.constant 0 : i32
      %dma_start3A_36 = tpu.memref_slice %arg9[%add3A_9, %dma_start3A_35] : memref<10240x128xf32, #tpu.memory_space<vmem_shared>> -> memref<128x128xf32, #tpu.memory_space<vmem_shared>>
      tpu.enqueue_dma source(%arg8 : memref<128x128xf32, #tpu.memory_space<vmem>>) target(%dma_start3A_36 : memref<128x128xf32, #tpu.memory_space<vmem_shared>>) target_semaphore(%run_scoped3A : memref<!tpu.dma_semaphore, #tpu.memory_space<semaphore_mem>>)
      %dma_wait3A = arith.constant 0 : i32
      %dma_wait3A_37 = tpu.memref_slice %arg9[%add3A_9, %dma_wait3A] : memref<10240x128xf32, #tpu.memory_space<vmem_shared>> -> memref<128x128xf32, #tpu.memory_space<vmem_shared>>
      %dma_wait3A_38 = arith.constant 0 : i32
      %dma_wait3A_39 = tpu.memref_slice %arg9[%add3A_9, %dma_wait3A_38] : memref<10240x128xf32, #tpu.memory_space<vmem_shared>> -> memref<128x128xf32, #tpu.memory_space<vmem_shared>>
      tpu.wait_dma2 semaphore(%run_scoped3A : memref<!tpu.dma_semaphore, #tpu.memory_space<semaphore_mem>>) src(%arg8 : memref<128x128xf32, #tpu.memory_space<vmem>>) dst(%dma_wait3A_39 : memref<128x128xf32, #tpu.memory_space<vmem_shared>>)
      tpu.yield
    }) : () -> ()
    %mul3A_10 = arith.constant 640 : i32
    %mul3A_11 = arith.muli %arg1, %mul3A_10 : i32
    %add3A_12 = arith.constant 128 : i32
    %add3A_13 = arith.addi %mul3A_11, %add3A_12 : i32
    "tpu.region"() ({
      %run_scoped3A = tpu.sem_alloc : memref<!tpu.dma_semaphore, #tpu.memory_space<semaphore_mem>>
      %dma_start3A = arith.constant 0 : i32
      %dma_start3A_34 = tpu.memref_slice %arg9[%add3A_13, %dma_start3A] : memref<10240x128xf32, #tpu.memory_space<vmem_shared>> -> memref<128x128xf32, #tpu.memory_space<vmem_shared>>
      %dma_start3A_35 = arith.constant 0 : i32
      %dma_start3A_36 = tpu.memref_slice %arg9[%add3A_13, %dma_start3A_35] : memref<10240x128xf32, #tpu.memory_space<vmem_shared>> -> memref<128x128xf32, #tpu.memory_space<vmem_shared>>
      tpu.enqueue_dma source(%arg8 : memref<128x128xf32, #tpu.memory_space<vmem>>) target(%dma_start3A_36 : memref<128x128xf32, #tpu.memory_space<vmem_shared>>) target_semaphore(%run_scoped3A : memref<!tpu.dma_semaphore, #tpu.memory_space<semaphore_mem>>)
      %dma_wait3A = arith.constant 0 : i32
      %dma_wait3A_37 = tpu.memref_slice %arg9[%add3A_13, %dma_wait3A] : memref<10240x128xf32, #tpu.memory_space<vmem_shared>> -> memref<128x128xf32, #tpu.memory_space<vmem_shared>>
      %dma_wait3A_38 = arith.constant 0 : i32
      %dma_wait3A_39 = tpu.memref_slice %arg9[%add3A_13, %dma_wait3A_38] : memref<10240x128xf32, #tpu.memory_space<vmem_shared>> -> memref<128x128xf32, #tpu.memory_space<vmem_shared>>
      tpu.wait_dma2 semaphore(%run_scoped3A : memref<!tpu.dma_semaphore, #tpu.memory_space<semaphore_mem>>) src(%arg8 : memref<128x128xf32, #tpu.memory_space<vmem>>) dst(%dma_wait3A_39 : memref<128x128xf32, #tpu.memory_space<vmem_shared>>)
      tpu.yield
    }) : () -> ()
    %mul3A_14 = arith.constant 640 : i32
    %mul3A_15 = arith.muli %arg1, %mul3A_14 : i32
    %add3A_16 = arith.constant 256 : i32
    %add3A_17 = arith.addi %mul3A_15, %add3A_16 : i32
    "tpu.region"() ({
      %run_scoped3A = tpu.sem_alloc : memref<!tpu.dma_semaphore, #tpu.memory_space<semaphore_mem>>
      %dma_start3A = arith.constant 0 : i32
      %dma_start3A_34 = tpu.memref_slice %arg9[%add3A_17, %dma_start3A] : memref<10240x128xf32, #tpu.memory_space<vmem_shared>> -> memref<128x128xf32, #tpu.memory_space<vmem_shared>>
      %dma_start3A_35 = arith.constant 0 : i32
      %dma_start3A_36 = tpu.memref_slice %arg9[%add3A_17, %dma_start3A_35] : memref<10240x128xf32, #tpu.memory_space<vmem_shared>> -> memref<128x128xf32, #tpu.memory_space<vmem_shared>>
      tpu.enqueue_dma source(%arg8 : memref<128x128xf32, #tpu.memory_space<vmem>>) target(%dma_start3A_36 : memref<128x128xf32, #tpu.memory_space<vmem_shared>>) target_semaphore(%run_scoped3A : memref<!tpu.dma_semaphore, #tpu.memory_space<semaphore_mem>>)
      %dma_wait3A = arith.constant 0 : i32
      %dma_wait3A_37 = tpu.memref_slice %arg9[%add3A_17, %dma_wait3A] : memref<10240x128xf32, #tpu.memory_space<vmem_shared>> -> memref<128x128xf32, #tpu.memory_space<vmem_shared>>
      %dma_wait3A_38 = arith.constant 0 : i32
      %dma_wait3A_39 = tpu.memref_slice %arg9[%add3A_17, %dma_wait3A_38] : memref<10240x128xf32, #tpu.memory_space<vmem_shared>> -> memref<128x128xf32, #tpu.memory_space<vmem_shared>>
      tpu.wait_dma2 semaphore(%run_scoped3A : memref<!tpu.dma_semaphore, #tpu.memory_space<semaphore_mem>>) src(%arg8 : memref<128x128xf32, #tpu.memory_space<vmem>>) dst(%dma_wait3A_39 : memref<128x128xf32, #tpu.memory_space<vmem_shared>>)
      tpu.yield
    }) : () -> ()
    %mul3A_18 = arith.constant 640 : i32
    %mul3A_19 = arith.muli %arg1, %mul3A_18 : i32
    %add3A_20 = arith.constant 384 : i32
    %add3A_21 = arith.addi %mul3A_19, %add3A_20 : i32
    "tpu.region"() ({
      %run_scoped3A = tpu.sem_alloc : memref<!tpu.dma_semaphore, #tpu.memory_space<semaphore_mem>>
      %dma_start3A = arith.constant 0 : i32
      %dma_start3A_34 = tpu.memref_slice %arg9[%add3A_21, %dma_start3A] : memref<10240x128xf32, #tpu.memory_space<vmem_shared>> -> memref<128x128xf32, #tpu.memory_space<vmem_shared>>
      %dma_start3A_35 = arith.constant 0 : i32
      %dma_start3A_36 = tpu.memref_slice %arg9[%add3A_21, %dma_start3A_35] : memref<10240x128xf32, #tpu.memory_space<vmem_shared>> -> memref<128x128xf32, #tpu.memory_space<vmem_shared>>
      tpu.enqueue_dma source(%arg8 : memref<128x128xf32, #tpu.memory_space<vmem>>) target(%dma_start3A_36 : memref<128x128xf32, #tpu.memory_space<vmem_shared>>) target_semaphore(%run_scoped3A : memref<!tpu.dma_semaphore, #tpu.memory_space<semaphore_mem>>)
      %dma_wait3A = arith.constant 0 : i32
      %dma_wait3A_37 = tpu.memref_slice %arg9[%add3A_21, %dma_wait3A] : memref<10240x128xf32, #tpu.memory_space<vmem_shared>> -> memref<128x128xf32, #tpu.memory_space<vmem_shared>>
      %dma_wait3A_38 = arith.constant 0 : i32
      %dma_wait3A_39 = tpu.memref_slice %arg9[%add3A_21, %dma_wait3A_38] : memref<10240x128xf32, #tpu.memory_space<vmem_shared>> -> memref<128x128xf32, #tpu.memory_space<vmem_shared>>
      tpu.wait_dma2 semaphore(%run_scoped3A : memref<!tpu.dma_semaphore, #tpu.memory_space<semaphore_mem>>) src(%arg8 : memref<128x128xf32, #tpu.memory_space<vmem>>) dst(%dma_wait3A_39 : memref<128x128xf32, #tpu.memory_space<vmem_shared>>)
      tpu.yield
    }) : () -> ()
    %mul3A_22 = arith.constant 640 : i32
    %mul3A_23 = arith.muli %arg1, %mul3A_22 : i32
    %add3A_24 = arith.constant 512 : i32
    %add3A_25 = arith.addi %mul3A_23, %add3A_24 : i32
    "tpu.region"() ({
      %run_scoped3A = tpu.sem_alloc : memref<!tpu.dma_semaphore, #tpu.memory_space<semaphore_mem>>
      %dma_start3A = arith.constant 0 : i32
      %dma_start3A_34 = tpu.memref_slice %arg9[%add3A_25, %dma_start3A] : memref<10240x128xf32, #tpu.memory_space<vmem_shared>> -> memref<128x128xf32, #tpu.memory_space<vmem_shared>>
      %dma_start3A_35 = arith.constant 0 : i32
      %dma_start3A_36 = tpu.memref_slice %arg9[%add3A_25, %dma_start3A_35] : memref<10240x128xf32, #tpu.memory_space<vmem_shared>> -> memref<128x128xf32, #tpu.memory_space<vmem_shared>>
      tpu.enqueue_dma source(%arg8 : memref<128x128xf32, #tpu.memory_space<vmem>>) target(%dma_start3A_36 : memref<128x128xf32, #tpu.memory_space<vmem_shared>>) target_semaphore(%run_scoped3A : memref<!tpu.dma_semaphore, #tpu.memory_space<semaphore_mem>>)
      %dma_wait3A = arith.constant 0 : i32
      %dma_wait3A_37 = tpu.memref_slice %arg9[%add3A_25, %dma_wait3A] : memref<10240x128xf32, #tpu.memory_space<vmem_shared>> -> memref<128x128xf32, #tpu.memory_space<vmem_shared>>
      %dma_wait3A_38 = arith.constant 0 : i32
      %dma_wait3A_39 = tpu.memref_slice %arg9[%add3A_25, %dma_wait3A_38] : memref<10240x128xf32, #tpu.memory_space<vmem_shared>> -> memref<128x128xf32, #tpu.memory_space<vmem_shared>>
      tpu.wait_dma2 semaphore(%run_scoped3A : memref<!tpu.dma_semaphore, #tpu.memory_space<semaphore_mem>>) src(%arg8 : memref<128x128xf32, #tpu.memory_space<vmem>>) dst(%dma_wait3A_39 : memref<128x128xf32, #tpu.memory_space<vmem_shared>>)
      tpu.yield
    }) : () -> ()
    %barrier3A = arith.constant 0 : index
    tpu.barrier barrier_id(%barrier3A)
    "tpu.region"() ({
      %run_scoped3A = tpu.sem_alloc : memref<!tpu.dma_semaphore, #tpu.memory_space<semaphore_mem>>
      %dma_start3A = arith.constant 0 : i32
      %dma_start3A_34 = arith.constant 0 : i32
      %dma_start3A_35 = tpu.memref_slice %arg3[%add3A, %dma_start3A, %dma_start3A_34] : memref<32x80x128xi32, #tpu.memory_space<hbm>> -> memref<1x80x128xi32, #tpu.memory_space<hbm>>
      %dma_start3A_36 = tpu.memref_squeeze %dma_start3A_35 : memref<1x80x128xi32, #tpu.memory_space<hbm>> -> memref<80x128xi32, #tpu.memory_space<hbm>>
      %dma_start3A_37 = arith.constant 0 : i32
      %dma_start3A_38 = arith.constant 0 : i32
      %dma_start3A_39 = tpu.memref_slice %arg3[%add3A, %dma_start3A_37, %dma_start3A_38] : memref<32x80x128xi32, #tpu.memory_space<hbm>> -> memref<1x80x128xi32, #tpu.memory_space<hbm>>
      %dma_start3A_40 = tpu.memref_squeeze %dma_start3A_39 : memref<1x80x128xi32, #tpu.memory_space<hbm>> -> memref<80x128xi32, #tpu.memory_space<hbm>>
      tpu.enqueue_dma source(%dma_start3A_40 : memref<80x128xi32, #tpu.memory_space<hbm>>) target(%arg6 : memref<80x128xi32, #tpu.memory_space<vmem>>) target_semaphore(%run_scoped3A : memref<!tpu.dma_semaphore, #tpu.memory_space<semaphore_mem>>)
      %dma_wait3A = arith.constant 0 : i32
      %dma_wait3A_41 = arith.constant 0 : i32
      %dma_wait3A_42 = tpu.memref_slice %arg3[%add3A, %dma_wait3A, %dma_wait3A_41] : memref<32x80x128xi32, #tpu.memory_space<hbm>> -> memref<1x80x128xi32, #tpu.memory_space<hbm>>
      %dma_wait3A_43 = tpu.memref_squeeze %dma_wait3A_42 : memref<1x80x128xi32, #tpu.memory_space<hbm>> -> memref<80x128xi32, #tpu.memory_space<hbm>>
      %dma_wait3A_44 = arith.constant 0 : i32
      %dma_wait3A_45 = arith.constant 0 : i32
      %dma_wait3A_46 = tpu.memref_slice %arg3[%add3A, %dma_wait3A_44, %dma_wait3A_45] : memref<32x80x128xi32, #tpu.memory_space<hbm>> -> memref<1x80x128xi32, #tpu.memory_space<hbm>>
      %dma_wait3A_47 = tpu.memref_squeeze %dma_wait3A_46 : memref<1x80x128xi32, #tpu.memory_space<hbm>> -> memref<80x128xi32, #tpu.memory_space<hbm>>
      tpu.wait_dma2 semaphore(%run_scoped3A : memref<!tpu.dma_semaphore, #tpu.memory_space<semaphore_mem>>) src(%dma_wait3A_47 : memref<80x128xi32, #tpu.memory_space<hbm>>) dst(%arg6 : memref<80x128xi32, #tpu.memory_space<vmem>>)
      tpu.yield
    }) : () -> ()
    "tpu.region"() ({
      %run_scoped3A = tpu.sem_alloc : memref<!tpu.dma_semaphore, #tpu.memory_space<semaphore_mem>>
      %dma_start3A = arith.constant 0 : i32
      %dma_start3A_34 = arith.constant 0 : i32
      %dma_start3A_35 = tpu.memref_slice %arg4[%add3A, %dma_start3A, %dma_start3A_34] : memref<32x80x128xi32, #tpu.memory_space<hbm>> -> memref<1x80x128xi32, #tpu.memory_space<hbm>>
      %dma_start3A_36 = tpu.memref_squeeze %dma_start3A_35 : memref<1x80x128xi32, #tpu.memory_space<hbm>> -> memref<80x128xi32, #tpu.memory_space<hbm>>
      %dma_start3A_37 = arith.constant 0 : i32
      %dma_start3A_38 = arith.constant 0 : i32
      %dma_start3A_39 = tpu.memref_slice %arg4[%add3A, %dma_start3A_37, %dma_start3A_38] : memref<32x80x128xi32, #tpu.memory_space<hbm>> -> memref<1x80x128xi32, #tpu.memory_space<hbm>>
      %dma_start3A_40 = tpu.memref_squeeze %dma_start3A_39 : memref<1x80x128xi32, #tpu.memory_space<hbm>> -> memref<80x128xi32, #tpu.memory_space<hbm>>
      tpu.enqueue_dma source(%dma_start3A_40 : memref<80x128xi32, #tpu.memory_space<hbm>>) target(%arg7 : memref<80x128xi32, #tpu.memory_space<vmem>>) target_semaphore(%run_scoped3A : memref<!tpu.dma_semaphore, #tpu.memory_space<semaphore_mem>>)
      %dma_wait3A = arith.constant 0 : i32
      %dma_wait3A_41 = arith.constant 0 : i32
      %dma_wait3A_42 = tpu.memref_slice %arg4[%add3A, %dma_wait3A, %dma_wait3A_41] : memref<32x80x128xi32, #tpu.memory_space<hbm>> -> memref<1x80x128xi32, #tpu.memory_space<hbm>>
      %dma_wait3A_43 = tpu.memref_squeeze %dma_wait3A_42 : memref<1x80x128xi32, #tpu.memory_space<hbm>> -> memref<80x128xi32, #tpu.memory_space<hbm>>
      %dma_wait3A_44 = arith.constant 0 : i32
      %dma_wait3A_45 = arith.constant 0 : i32
      %dma_wait3A_46 = tpu.memref_slice %arg4[%add3A, %dma_wait3A_44, %dma_wait3A_45] : memref<32x80x128xi32, #tpu.memory_space<hbm>> -> memref<1x80x128xi32, #tpu.memory_space<hbm>>
      %dma_wait3A_47 = tpu.memref_squeeze %dma_wait3A_46 : memref<1x80x128xi32, #tpu.memory_space<hbm>> -> memref<80x128xi32, #tpu.memory_space<hbm>>
      tpu.wait_dma2 semaphore(%run_scoped3A : memref<!tpu.dma_semaphore, #tpu.memory_space<semaphore_mem>>) src(%dma_wait3A_47 : memref<80x128xi32, #tpu.memory_space<hbm>>) dst(%arg7 : memref<80x128xi32, #tpu.memory_space<vmem>>)
      tpu.yield
    }) : () -> ()
    %scan3A_26 = arith.constant 0 : i32
    %scan3A_27 = arith.constant 80 : i32
    %scan3A_28 = arith.addi %scan3A_26, %scan3A_27 : i32
    %scan3A_29 = arith.constant 1 : i32
    scf.for %scan3A_34 = %scan3A_26 to %scan3A_28 step %scan3A_29  : i32 {
      %mul3A_35 = arith.constant 1 : i32
      %mul3A_36 = arith.muli %scan3A_34, %mul3A_35 : i32
      %add3A_37 = arith.constant 0 : i32
      %add3A_38 = arith.addi %add3A_37, %mul3A_36 : i32
      %dma_start3A = arith.constant 0 : i32
      %dma_start3A_39 = tpu.memref_slice %arg6[%add3A_38, %dma_start3A] : memref<80x128xi32, #tpu.memory_space<vmem>> -> memref<1x128xi32, #tpu.memory_space<vmem>>
      %dma_start3A_40 = tpu.memref_squeeze %dma_start3A_39 : memref<1x128xi32, #tpu.memory_space<vmem>> -> memref<128xi32, #tpu.memory_space<vmem>>
      %dma_start3A_41 = arith.constant 0 : i32
      %dma_start3A_42 = arith.constant 0 : i32
      %dma_start3A_43 = tpu.memref_slice %arg2[%dma_start3A_41, %dma_start3A_42] : memref<10240x128xf32, #tpu.memory_space<hbm>> -> memref<10240x128xf32, #tpu.memory_space<hbm>>
      tpu.enqueue_indirect_dma source(%dma_start3A_43 : memref<10240x128xf32, #tpu.memory_space<hbm>>) target(%arg8 : memref<128x128xf32, #tpu.memory_space<vmem>>) offsets(%dma_start3A_40 : memref<128xi32, #tpu.memory_space<vmem>>) semaphore(%arg10 : memref<!tpu.dma_semaphore, #tpu.memory_space<semaphore_mem>>)
      %dma_wait3A = arith.constant 0 : i32
      %dma_wait3A_44 = tpu.memref_slice %arg6[%add3A_38, %dma_wait3A] : memref<80x128xi32, #tpu.memory_space<vmem>> -> memref<1x128xi32, #tpu.memory_space<vmem>>
      %dma_wait3A_45 = tpu.memref_squeeze %dma_wait3A_44 : memref<1x128xi32, #tpu.memory_space<vmem>> -> memref<128xi32, #tpu.memory_space<vmem>>
      %dma_wait3A_46 = arith.constant 0 : i32
      %dma_wait3A_47 = arith.constant 0 : i32
      %dma_wait3A_48 = tpu.memref_slice %arg2[%dma_wait3A_46, %dma_wait3A_47] : memref<10240x128xf32, #tpu.memory_space<hbm>> -> memref<10240x128xf32, #tpu.memory_space<hbm>>
      tpu.wait_indirect_dma semaphore(%arg10 : memref<!tpu.dma_semaphore, #tpu.memory_space<semaphore_mem>>) src(%dma_wait3A_48 : memref<10240x128xf32, #tpu.memory_space<hbm>>) dst(%arg8 : memref<128x128xf32, #tpu.memory_space<vmem>>)
      "tpu.region"() ({
        %run_scoped3A = tpu.sem_alloc : memref<!tpu.dma_semaphore, #tpu.memory_space<semaphore_mem>>
        %dma_start3A_49 = arith.constant 0 : i32
        %dma_start3A_50 = tpu.memref_slice %arg7[%add3A_38, %dma_start3A_49] : memref<80x128xi32, #tpu.memory_space<vmem>> -> memref<1x128xi32, #tpu.memory_space<vmem>>
        %dma_start3A_51 = tpu.memref_squeeze %dma_start3A_50 : memref<1x128xi32, #tpu.memory_space<vmem>> -> memref<128xi32, #tpu.memory_space<vmem>>
        %dma_start3A_52 = arith.constant 0 : i32
        %dma_start3A_53 = arith.constant 0 : i32
        %dma_start3A_54 = tpu.memref_slice %arg9[%dma_start3A_52, %dma_start3A_53] : memref<10240x128xf32, #tpu.memory_space<vmem_shared>> -> memref<10240x128xf32, #tpu.memory_space<vmem_shared>>
        tpu.enqueue_indirect_dma source(%arg8 : memref<128x128xf32, #tpu.memory_space<vmem>>) target(%dma_start3A_54 : memref<10240x128xf32, #tpu.memory_space<vmem_shared>>) offsets(%dma_start3A_51 : memref<128xi32, #tpu.memory_space<vmem>>) semaphore(%run_scoped3A : memref<!tpu.dma_semaphore, #tpu.memory_space<semaphore_mem>>) {add = true}
        %dma_wait3A_55 = arith.constant 0 : i32
        %dma_wait3A_56 = tpu.memref_slice %arg7[%add3A_38, %dma_wait3A_55] : memref<80x128xi32, #tpu.memory_space<vmem>> -> memref<1x128xi32, #tpu.memory_space<vmem>>
        %dma_wait3A_57 = tpu.memref_squeeze %dma_wait3A_56 : memref<1x128xi32, #tpu.memory_space<vmem>> -> memref<128xi32, #tpu.memory_space<vmem>>
        %dma_wait3A_58 = arith.constant 0 : i32
        %dma_wait3A_59 = arith.constant 0 : i32
        %dma_wait3A_60 = tpu.memref_slice %arg9[%dma_wait3A_58, %dma_wait3A_59] : memref<10240x128xf32, #tpu.memory_space<vmem_shared>> -> memref<10240x128xf32, #tpu.memory_space<vmem_shared>>
        tpu.wait_indirect_dma semaphore(%run_scoped3A : memref<!tpu.dma_semaphore, #tpu.memory_space<semaphore_mem>>) src(%arg8 : memref<128x128xf32, #tpu.memory_space<vmem>>) dst(%dma_wait3A_60 : memref<10240x128xf32, #tpu.memory_space<vmem_shared>>)
        tpu.yield
      }) : () -> ()
    }
    %scan3A_30 = arith.constant 80 : i32
    %barrier3A_31 = arith.constant 0 : index
    tpu.barrier barrier_id(%barrier3A_31)
    %mul3A_32 = arith.constant 640 : i32
    %mul3A_33 = arith.muli %arg1, %mul3A_32 : i32
    "tpu.region"() ({
      %run_scoped3A = tpu.sem_alloc : memref<!tpu.dma_semaphore, #tpu.memory_space<semaphore_mem>>
      %dma_start3A = arith.constant 0 : i32
      %dma_start3A_34 = arith.constant 0 : i32
      %dma_start3A_35 = arith.constant 0 : i32
      %dma_start3A_36 = tpu.memref_slice %arg5[%arg0, %dma_start3A, %dma_start3A_34, %dma_start3A_35] : memref<2x16x640x128xf32, #tpu.memory_space<hbm>> -> memref<1x16x640x128xf32, #tpu.memory_space<hbm>>
      %dma_start3A_37 = tpu.memref_squeeze %dma_start3A_36 : memref<1x16x640x128xf32, #tpu.memory_space<hbm>> -> memref<16x640x128xf32, #tpu.memory_space<hbm>>
      %dma_start3A_38 = arith.constant 0 : i32
      %dma_start3A_39 = arith.constant 0 : i32
      %dma_start3A_40 = tpu.memref_slice %dma_start3A_37[%arg1, %dma_start3A_38, %dma_start3A_39] : memref<16x640x128xf32, #tpu.memory_space<hbm>> -> memref<1x640x128xf32, #tpu.memory_space<hbm>>
      %dma_start3A_41 = tpu.memref_squeeze %dma_start3A_40 : memref<1x640x128xf32, #tpu.memory_space<hbm>> -> memref<640x128xf32, #tpu.memory_space<hbm>>
      %dma_start3A_42 = arith.constant 0 : i32
      %dma_start3A_43 = tpu.memref_slice %arg9[%mul3A_33, %dma_start3A_42] : memref<10240x128xf32, #tpu.memory_space<vmem_shared>> -> memref<640x128xf32, #tpu.memory_space<vmem_shared>>
      tpu.enqueue_dma source(%dma_start3A_43 : memref<640x128xf32, #tpu.memory_space<vmem_shared>>) target(%dma_start3A_41 : memref<640x128xf32, #tpu.memory_space<hbm>>) target_semaphore(%run_scoped3A : memref<!tpu.dma_semaphore, #tpu.memory_space<semaphore_mem>>)
      %dma_wait3A = arith.constant 0 : i32
      %dma_wait3A_44 = arith.constant 0 : i32
      %dma_wait3A_45 = arith.constant 0 : i32
      %dma_wait3A_46 = tpu.memref_slice %arg5[%arg0, %dma_wait3A, %dma_wait3A_44, %dma_wait3A_45] : memref<2x16x640x128xf32, #tpu.memory_space<hbm>> -> memref<1x16x640x128xf32, #tpu.memory_space<hbm>>
      %dma_wait3A_47 = tpu.memref_squeeze %dma_wait3A_46 : memref<1x16x640x128xf32, #tpu.memory_space<hbm>> -> memref<16x640x128xf32, #tpu.memory_space<hbm>>
      %dma_wait3A_48 = arith.constant 0 : i32
      %dma_wait3A_49 = arith.constant 0 : i32
      %dma_wait3A_50 = tpu.memref_slice %dma_wait3A_47[%arg1, %dma_wait3A_48, %dma_wait3A_49] : memref<16x640x128xf32, #tpu.memory_space<hbm>> -> memref<1x640x128xf32, #tpu.memory_space<hbm>>
      %dma_wait3A_51 = tpu.memref_squeeze %dma_wait3A_50 : memref<1x640x128xf32, #tpu.memory_space<hbm>> -> memref<640x128xf32, #tpu.memory_space<hbm>>
      %dma_wait3A_52 = arith.constant 0 : i32
      %dma_wait3A_53 = tpu.memref_slice %arg9[%mul3A_33, %dma_wait3A_52] : memref<10240x128xf32, #tpu.memory_space<vmem_shared>> -> memref<640x128xf32, #tpu.memory_space<vmem_shared>>
      tpu.wait_dma2 semaphore(%run_scoped3A : memref<!tpu.dma_semaphore, #tpu.memory_space<semaphore_mem>>) src(%dma_wait3A_53 : memref<640x128xf32, #tpu.memory_space<vmem_shared>>) dst(%dma_wait3A_51 : memref<640x128xf32, #tpu.memory_space<hbm>>)
      tpu.yield
    }) : () -> ()
    return
  }
}

#map = affine_map<(d0, d1) -> (0, 0, 0)>
#map1 = affine_map<(d0, d1) -> (0, 0)>
module attributes {stable_mosaic.version = 14 : i64} {
  func.func @_deg_kernel(%arg0: i32, %arg1: i32, %arg2: memref<32x80x128xi32, #tpu.memory_space<hbm>>, %arg3: memref<2x10240xf32, #tpu.memory_space<hbm>>, %arg4: memref<80x128xi32, #tpu.memory_space<vmem>>, %arg5: memref<128xf32, #tpu.memory_space<vmem>>, %arg6: memref<640xf32, #tpu.memory_space<vmem>>, %arg7: memref<10240xf32, #tpu.memory_space<vmem_shared>>) attributes {dimension_semantics = [#tpu.dimension_semantics<core_parallel>, #tpu.dimension_semantics<subcore_parallel>], iteration_bounds = array<i64: 2, 16>, scalar_prefetch = 0 : i64, scratch_operands = 4 : i64, tpu.core_type = #tpu.core_type<sc_vector_subcore>, window_params = [{transform_indices = #map}, {transform_indices = #map1}]} {
    %mul3A = arith.constant 2 : i32
    %mul3A_0 = arith.muli %arg1, %mul3A : i32
    %add3A = arith.addi %mul3A_0, %arg0 : i32
    %broadcast_in_dim3A = arith.constant 1.000000e+00 : f32
    %broadcast_in_dim3A_1 = vector.broadcast %broadcast_in_dim3A : f32 to vector<16xf32>
    %broadcast_in_dim3A_2 = arith.constant 0.000000e+00 : f32
    %broadcast_in_dim3A_3 = vector.broadcast %broadcast_in_dim3A_2 : f32 to vector<16xf32>
    %swap3A = arith.constant 0 : index
    %swap3A_4 = tpu.vector_load %arg5[%swap3A] {strides = array<i32>} : memref<128xf32, #tpu.memory_space<vmem>>, vector<16xf32>,
    %swap3A_5 = vector.shape_cast %swap3A_4 : vector<16xf32> to vector<16xf32>
    %swap3A_6 = vector.shape_cast %broadcast_in_dim3A_1 : vector<16xf32> to vector<16xf32>
    tpu.vector_store %arg5[%swap3A], %swap3A_6 {strides = array<i32>} : memref<128xf32, #tpu.memory_space<vmem>>, vector<16xf32>,
    %swap3A_7 = arith.constant 16 : index
    %swap3A_8 = tpu.vector_load %arg5[%swap3A_7] {strides = array<i32>} : memref<128xf32, #tpu.memory_space<vmem>>, vector<16xf32>,
    %swap3A_9 = vector.shape_cast %swap3A_8 : vector<16xf32> to vector<16xf32>
    %swap3A_10 = vector.shape_cast %broadcast_in_dim3A_1 : vector<16xf32> to vector<16xf32>
    tpu.vector_store %arg5[%swap3A_7], %swap3A_10 {strides = array<i32>} : memref<128xf32, #tpu.memory_space<vmem>>, vector<16xf32>,
    %swap3A_11 = arith.constant 32 : index
    %swap3A_12 = tpu.vector_load %arg5[%swap3A_11] {strides = array<i32>} : memref<128xf32, #tpu.memory_space<vmem>>, vector<16xf32>,
    %swap3A_13 = vector.shape_cast %swap3A_12 : vector<16xf32> to vector<16xf32>
    %swap3A_14 = vector.shape_cast %broadcast_in_dim3A_1 : vector<16xf32> to vector<16xf32>
    tpu.vector_store %arg5[%swap3A_11], %swap3A_14 {strides = array<i32>} : memref<128xf32, #tpu.memory_space<vmem>>, vector<16xf32>,
    %swap3A_15 = arith.constant 48 : index
    %swap3A_16 = tpu.vector_load %arg5[%swap3A_15] {strides = array<i32>} : memref<128xf32, #tpu.memory_space<vmem>>, vector<16xf32>,
    %swap3A_17 = vector.shape_cast %swap3A_16 : vector<16xf32> to vector<16xf32>
    %swap3A_18 = vector.shape_cast %broadcast_in_dim3A_1 : vector<16xf32> to vector<16xf32>
    tpu.vector_store %arg5[%swap3A_15], %swap3A_18 {strides = array<i32>} : memref<128xf32, #tpu.memory_space<vmem>>, vector<16xf32>,
    %swap3A_19 = arith.constant 64 : index
    %swap3A_20 = tpu.vector_load %arg5[%swap3A_19] {strides = array<i32>} : memref<128xf32, #tpu.memory_space<vmem>>, vector<16xf32>,
    %swap3A_21 = vector.shape_cast %swap3A_20 : vector<16xf32> to vector<16xf32>
    %swap3A_22 = vector.shape_cast %broadcast_in_dim3A_1 : vector<16xf32> to vector<16xf32>
    tpu.vector_store %arg5[%swap3A_19], %swap3A_22 {strides = array<i32>} : memref<128xf32, #tpu.memory_space<vmem>>, vector<16xf32>,
    %swap3A_23 = arith.constant 80 : index
    %swap3A_24 = tpu.vector_load %arg5[%swap3A_23] {strides = array<i32>} : memref<128xf32, #tpu.memory_space<vmem>>, vector<16xf32>,
    %swap3A_25 = vector.shape_cast %swap3A_24 : vector<16xf32> to vector<16xf32>
    %swap3A_26 = vector.shape_cast %broadcast_in_dim3A_1 : vector<16xf32> to vector<16xf32>
    tpu.vector_store %arg5[%swap3A_23], %swap3A_26 {strides = array<i32>} : memref<128xf32, #tpu.memory_space<vmem>>, vector<16xf32>,
    %swap3A_27 = arith.constant 96 : index
    %swap3A_28 = tpu.vector_load %arg5[%swap3A_27] {strides = array<i32>} : memref<128xf32, #tpu.memory_space<vmem>>, vector<16xf32>,
    %swap3A_29 = vector.shape_cast %swap3A_28 : vector<16xf32> to vector<16xf32>
    %swap3A_30 = vector.shape_cast %broadcast_in_dim3A_1 : vector<16xf32> to vector<16xf32>
    tpu.vector_store %arg5[%swap3A_27], %swap3A_30 {strides = array<i32>} : memref<128xf32, #tpu.memory_space<vmem>>, vector<16xf32>,
    %swap3A_31 = arith.constant 112 : index
    %swap3A_32 = tpu.vector_load %arg5[%swap3A_31] {strides = array<i32>} : memref<128xf32, #tpu.memory_space<vmem>>, vector<16xf32>,
    %swap3A_33 = vector.shape_cast %swap3A_32 : vector<16xf32> to vector<16xf32>
    %swap3A_34 = vector.shape_cast %broadcast_in_dim3A_1 : vector<16xf32> to vector<16xf32>
    tpu.vector_store %arg5[%swap3A_31], %swap3A_34 {strides = array<i32>} : memref<128xf32, #tpu.memory_space<vmem>>, vector<16xf32>,
    %scan3A = arith.constant 0 : i32
    %scan3A_35 = arith.constant 40 : i32
    %scan3A_36 = arith.addi %scan3A, %scan3A_35 : i32
    %scan3A_37 = arith.constant 1 : i32
    scf.for %scan3A_49 = %scan3A to %scan3A_36 step %scan3A_37  : i32 {
      %mul3A_50 = arith.constant 1 : i32
      %mul3A_51 = arith.muli %scan3A_49, %mul3A_50 : i32
      %add3A_52 = arith.constant 0 : i32
      %add3A_53 = arith.addi %add3A_52, %mul3A_51 : i32
      %mul3A_54 = arith.constant 16 : i32
      %mul3A_55 = arith.muli %add3A_53, %mul3A_54 : i32
      %swap3A_56 = arith.index_cast %mul3A_55 : i32 to index
      %swap3A_57 = tpu.vector_load %arg6[%swap3A_56] {strides = array<i32>} : memref<640xf32, #tpu.memory_space<vmem>>, vector<16xf32>,
      %swap3A_58 = vector.shape_cast %swap3A_57 : vector<16xf32> to vector<16xf32>
      %swap3A_59 = vector.shape_cast %broadcast_in_dim3A_3 : vector<16xf32> to vector<16xf32>
      tpu.vector_store %arg6[%swap3A_56], %swap3A_59 {strides = array<i32>} : memref<640xf32, #tpu.memory_space<vmem>>, vector<16xf32>,
    }
    %scan3A_38 = arith.constant 40 : i32
    %mul3A_39 = arith.constant 640 : i32
    %mul3A_40 = arith.muli %arg1, %mul3A_39 : i32
    "tpu.region"() ({
      %run_scoped3A = tpu.sem_alloc : memref<!tpu.dma_semaphore, #tpu.memory_space<semaphore_mem>>
      %dma_start3A = tpu.memref_slice %arg7[%mul3A_40] : memref<10240xf32, #tpu.memory_space<vmem_shared>> -> memref<640xf32, #tpu.memory_space<vmem_shared>>
      %dma_start3A_49 = tpu.memref_slice %arg7[%mul3A_40] : memref<10240xf32, #tpu.memory_space<vmem_shared>> -> memref<640xf32, #tpu.memory_space<vmem_shared>>
      tpu.enqueue_dma source(%arg6 : memref<640xf32, #tpu.memory_space<vmem>>) target(%dma_start3A_49 : memref<640xf32, #tpu.memory_space<vmem_shared>>) target_semaphore(%run_scoped3A : memref<!tpu.dma_semaphore, #tpu.memory_space<semaphore_mem>>)
      %dma_wait3A = tpu.memref_slice %arg7[%mul3A_40] : memref<10240xf32, #tpu.memory_space<vmem_shared>> -> memref<640xf32, #tpu.memory_space<vmem_shared>>
      %dma_wait3A_50 = tpu.memref_slice %arg7[%mul3A_40] : memref<10240xf32, #tpu.memory_space<vmem_shared>> -> memref<640xf32, #tpu.memory_space<vmem_shared>>
      tpu.wait_dma2 semaphore(%run_scoped3A : memref<!tpu.dma_semaphore, #tpu.memory_space<semaphore_mem>>) src(%arg6 : memref<640xf32, #tpu.memory_space<vmem>>) dst(%dma_wait3A_50 : memref<640xf32, #tpu.memory_space<vmem_shared>>)
      tpu.yield
    }) : () -> ()
    %barrier3A = arith.constant 0 : index
    tpu.barrier barrier_id(%barrier3A)
    "tpu.region"() ({
      %run_scoped3A = tpu.sem_alloc : memref<!tpu.dma_semaphore, #tpu.memory_space<semaphore_mem>>
      %dma_start3A = arith.constant 0 : i32
      %dma_start3A_49 = arith.constant 0 : i32
      %dma_start3A_50 = tpu.memref_slice %arg2[%add3A, %dma_start3A, %dma_start3A_49] : memref<32x80x128xi32, #tpu.memory_space<hbm>> -> memref<1x80x128xi32, #tpu.memory_space<hbm>>
      %dma_start3A_51 = tpu.memref_squeeze %dma_start3A_50 : memref<1x80x128xi32, #tpu.memory_space<hbm>> -> memref<80x128xi32, #tpu.memory_space<hbm>>
      %dma_start3A_52 = arith.constant 0 : i32
      %dma_start3A_53 = arith.constant 0 : i32
      %dma_start3A_54 = tpu.memref_slice %arg2[%add3A, %dma_start3A_52, %dma_start3A_53] : memref<32x80x128xi32, #tpu.memory_space<hbm>> -> memref<1x80x128xi32, #tpu.memory_space<hbm>>
      %dma_start3A_55 = tpu.memref_squeeze %dma_start3A_54 : memref<1x80x128xi32, #tpu.memory_space<hbm>> -> memref<80x128xi32, #tpu.memory_space<hbm>>
      tpu.enqueue_dma source(%dma_start3A_55 : memref<80x128xi32, #tpu.memory_space<hbm>>) target(%arg4 : memref<80x128xi32, #tpu.memory_space<vmem>>) target_semaphore(%run_scoped3A : memref<!tpu.dma_semaphore, #tpu.memory_space<semaphore_mem>>)
      %dma_wait3A = arith.constant 0 : i32
      %dma_wait3A_56 = arith.constant 0 : i32
      %dma_wait3A_57 = tpu.memref_slice %arg2[%add3A, %dma_wait3A, %dma_wait3A_56] : memref<32x80x128xi32, #tpu.memory_space<hbm>> -> memref<1x80x128xi32, #tpu.memory_space<hbm>>
      %dma_wait3A_58 = tpu.memref_squeeze %dma_wait3A_57 : memref<1x80x128xi32, #tpu.memory_space<hbm>> -> memref<80x128xi32, #tpu.memory_space<hbm>>
      %dma_wait3A_59 = arith.constant 0 : i32
      %dma_wait3A_60 = arith.constant 0 : i32
      %dma_wait3A_61 = tpu.memref_slice %arg2[%add3A, %dma_wait3A_59, %dma_wait3A_60] : memref<32x80x128xi32, #tpu.memory_space<hbm>> -> memref<1x80x128xi32, #tpu.memory_space<hbm>>
      %dma_wait3A_62 = tpu.memref_squeeze %dma_wait3A_61 : memref<1x80x128xi32, #tpu.memory_space<hbm>> -> memref<80x128xi32, #tpu.memory_space<hbm>>
      tpu.wait_dma2 semaphore(%run_scoped3A : memref<!tpu.dma_semaphore, #tpu.memory_space<semaphore_mem>>) src(%dma_wait3A_62 : memref<80x128xi32, #tpu.memory_space<hbm>>) dst(%arg4 : memref<80x128xi32, #tpu.memory_space<vmem>>)
      tpu.yield
    }) : () -> ()
    %scan3A_41 = arith.constant 0 : i32
    %scan3A_42 = arith.constant 80 : i32
    %scan3A_43 = arith.addi %scan3A_41, %scan3A_42 : i32
    %scan3A_44 = arith.constant 1 : i32
    scf.for %scan3A_49 = %scan3A_41 to %scan3A_43 step %scan3A_44  : i32 {
      %mul3A_50 = arith.constant 1 : i32
      %mul3A_51 = arith.muli %scan3A_49, %mul3A_50 : i32
      %add3A_52 = arith.constant 0 : i32
      %add3A_53 = arith.addi %add3A_52, %mul3A_51 : i32
      "tpu.region"() ({
        %run_scoped3A = tpu.sem_alloc : memref<!tpu.dma_semaphore, #tpu.memory_space<semaphore_mem>>
        %dma_start3A = arith.constant 0 : i32
        %dma_start3A_54 = tpu.memref_slice %arg4[%add3A_53, %dma_start3A] : memref<80x128xi32, #tpu.memory_space<vmem>> -> memref<1x128xi32, #tpu.memory_space<vmem>>
        %dma_start3A_55 = tpu.memref_squeeze %dma_start3A_54 : memref<1x128xi32, #tpu.memory_space<vmem>> -> memref<128xi32, #tpu.memory_space<vmem>>
        %dma_start3A_56 = arith.constant 0 : i32
        %dma_start3A_57 = tpu.memref_slice %arg7[%dma_start3A_56] : memref<10240xf32, #tpu.memory_space<vmem_shared>> -> memref<10240xf32, #tpu.memory_space<vmem_shared>>
        tpu.enqueue_indirect_dma source(%arg5 : memref<128xf32, #tpu.memory_space<vmem>>) target(%dma_start3A_57 : memref<10240xf32, #tpu.memory_space<vmem_shared>>) offsets(%dma_start3A_55 : memref<128xi32, #tpu.memory_space<vmem>>) semaphore(%run_scoped3A : memref<!tpu.dma_semaphore, #tpu.memory_space<semaphore_mem>>) {add = true}
        %dma_wait3A = arith.constant 0 : i32
        %dma_wait3A_58 = tpu.memref_slice %arg4[%add3A_53, %dma_wait3A] : memref<80x128xi32, #tpu.memory_space<vmem>> -> memref<1x128xi32, #tpu.memory_space<vmem>>
        %dma_wait3A_59 = tpu.memref_squeeze %dma_wait3A_58 : memref<1x128xi32, #tpu.memory_space<vmem>> -> memref<128xi32, #tpu.memory_space<vmem>>
        %dma_wait3A_60 = arith.constant 0 : i32
        %dma_wait3A_61 = tpu.memref_slice %arg7[%dma_wait3A_60] : memref<10240xf32, #tpu.memory_space<vmem_shared>> -> memref<10240xf32, #tpu.memory_space<vmem_shared>>
        tpu.wait_indirect_dma semaphore(%run_scoped3A : memref<!tpu.dma_semaphore, #tpu.memory_space<semaphore_mem>>) src(%arg5 : memref<128xf32, #tpu.memory_space<vmem>>) dst(%dma_wait3A_61 : memref<10240xf32, #tpu.memory_space<vmem_shared>>)
        tpu.yield
      }) : () -> ()
    }
    %scan3A_45 = arith.constant 80 : i32
    %barrier3A_46 = arith.constant 0 : index
    tpu.barrier barrier_id(%barrier3A_46)
    %eq3A = arith.constant 0 : i32
    %eq3A_47 = arith.cmpi eq, %arg1, %eq3A : i32
    %convert_element_type3A = arith.extui %eq3A_47 : i1 to i32
    %cond3A = arith.constant 0 : i32
    %cond3A_48 = arith.cmpi ne, %convert_element_type3A, %cond3A : i32
    scf.if %cond3A_48 {
      "tpu.region"() ({
        %run_scoped3A = tpu.sem_alloc : memref<!tpu.dma_semaphore, #tpu.memory_space<semaphore_mem>>
        %dma_start3A = arith.constant 0 : i32
        %dma_start3A_49 = tpu.memref_slice %arg3[%arg0, %dma_start3A] : memref<2x10240xf32, #tpu.memory_space<hbm>> -> memref<1x10240xf32, #tpu.memory_space<hbm>>
        %dma_start3A_50 = tpu.memref_squeeze %dma_start3A_49 : memref<1x10240xf32, #tpu.memory_space<hbm>> -> memref<10240xf32, #tpu.memory_space<hbm>>
        tpu.enqueue_dma source(%arg7 : memref<10240xf32, #tpu.memory_space<vmem_shared>>) target(%dma_start3A_50 : memref<10240xf32, #tpu.memory_space<hbm>>) target_semaphore(%run_scoped3A : memref<!tpu.dma_semaphore, #tpu.memory_space<semaphore_mem>>)
        %dma_wait3A = arith.constant 0 : i32
        %dma_wait3A_51 = tpu.memref_slice %arg3[%arg0, %dma_wait3A] : memref<2x10240xf32, #tpu.memory_space<hbm>> -> memref<1x10240xf32, #tpu.memory_space<hbm>>
        %dma_wait3A_52 = tpu.memref_squeeze %dma_wait3A_51 : memref<1x10240xf32, #tpu.memory_space<hbm>> -> memref<10240xf32, #tpu.memory_space<hbm>>
        tpu.wait_dma2 semaphore(%run_scoped3A : memref<!tpu.dma_semaphore, #tpu.memory_space<semaphore_mem>>) src(%arg7 : memref<10240xf32, #tpu.memory_space<vmem_shared>>) dst(%dma_wait3A_52 : memref<10240xf32, #tpu.memory_space<hbm>>)
        tpu.yield
      }) : () -> ()
    } else {
    }
    return
  }
}

#map = affine_map<(d0, d1) -> (0, 0)>
#map1 = affine_map<(d0, d1) -> (0, 0, 0)>
#map2 = affine_map<(d0, d1) -> (0, 0, 0, 0)>
module attributes {stable_mosaic.version = 14 : i64} {
  func.func @_agg_kernel(%arg0: i32, %arg1: i32, %arg2: memref<10240x128xf32, #tpu.memory_space<hbm>>, %arg3: memref<32x80x128xi32, #tpu.memory_space<hbm>>, %arg4: memref<32x80x128xi32, #tpu.memory_space<hbm>>, %arg5: memref<2x16x640x128xf32, #tpu.memory_space<hbm>>, %arg6: memref<80x128xi32, #tpu.memory_space<vmem>>, %arg7: memref<80x128xi32, #tpu.memory_space<vmem>>, %arg8: memref<128x128xf32, #tpu.memory_space<vmem>>, %arg9: memref<10240x128xf32, #tpu.memory_space<vmem_shared>>, %arg10: memref<!tpu.dma_semaphore, #tpu.memory_space<semaphore_mem>>) attributes {dimension_semantics = [#tpu.dimension_semantics<core_parallel>, #tpu.dimension_semantics<subcore_parallel>], iteration_bounds = array<i64: 2, 16>, scalar_prefetch = 0 : i64, scratch_operands = 5 : i64, tpu.core_type = #tpu.core_type<sc_vector_subcore>, window_params = [{transform_indices = #map}, {transform_indices = #map1}, {transform_indices = #map1}, {transform_indices = #map2}]} {
    %mul3A = arith.constant 2 : i32
    %mul3A_0 = arith.muli %arg1, %mul3A : i32
    %add3A = arith.addi %mul3A_0, %arg0 : i32
    %broadcast_in_dim3A = arith.constant 0.000000e+00 : f32
    %broadcast_in_dim3A_1 = vector.broadcast %broadcast_in_dim3A : f32 to vector<16xf32>
    %scan3A = arith.constant 0 : i32
    %scan3A_2 = arith.constant 128 : i32
    %scan3A_3 = arith.addi %scan3A, %scan3A_2 : i32
    %scan3A_4 = arith.constant 1 : i32
    scf.for %scan3A_34 = %scan3A to %scan3A_3 step %scan3A_4  : i32 {
      %mul3A_35 = arith.constant 1 : i32
      %mul3A_36 = arith.muli %scan3A_34, %mul3A_35 : i32
      %add3A_37 = arith.constant 0 : i32
      %add3A_38 = arith.addi %add3A_37, %mul3A_36 : i32
      %swap3A = arith.index_cast %add3A_38 : i32 to index
      %swap3A_39 = arith.constant 0 : index
      %swap3A_40 = tpu.vector_load %arg8[%swap3A, %swap3A_39] {strides = array<i32>} : memref<128x128xf32, #tpu.memory_space<vmem>>, vector<1x16xf32>,
      %swap3A_41 = vector.shape_cast %swap3A_40 : vector<1x16xf32> to vector<16xf32>
      %swap3A_42 = vector.shape_cast %broadcast_in_dim3A_1 : vector<16xf32> to vector<1x16xf32>
      tpu.vector_store %arg8[%swap3A, %swap3A_39], %swap3A_42 {strides = array<i32>} : memref<128x128xf32, #tpu.memory_space<vmem>>, vector<1x16xf32>,
      %swap3A_43 = arith.index_cast %add3A_38 : i32 to index
      %swap3A_44 = arith.constant 16 : index
      %swap3A_45 = tpu.vector_load %arg8[%swap3A_43, %swap3A_44] {strides = array<i32>} : memref<128x128xf32, #tpu.memory_space<vmem>>, vector<1x16xf32>,
      %swap3A_46 = vector.shape_cast %swap3A_45 : vector<1x16xf32> to vector<16xf32>
      %swap3A_47 = vector.shape_cast %broadcast_in_dim3A_1 : vector<16xf32> to vector<1x16xf32>
      tpu.vector_store %arg8[%swap3A_43, %swap3A_44], %swap3A_47 {strides = array<i32>} : memref<128x128xf32, #tpu.memory_space<vmem>>, vector<1x16xf32>,
      %swap3A_48 = arith.index_cast %add3A_38 : i32 to index
      %swap3A_49 = arith.constant 32 : index
      %swap3A_50 = tpu.vector_load %arg8[%swap3A_48, %swap3A_49] {strides = array<i32>} : memref<128x128xf32, #tpu.memory_space<vmem>>, vector<1x16xf32>,
      %swap3A_51 = vector.shape_cast %swap3A_50 : vector<1x16xf32> to vector<16xf32>
      %swap3A_52 = vector.shape_cast %broadcast_in_dim3A_1 : vector<16xf32> to vector<1x16xf32>
      tpu.vector_store %arg8[%swap3A_48, %swap3A_49], %swap3A_52 {strides = array<i32>} : memref<128x128xf32, #tpu.memory_space<vmem>>, vector<1x16xf32>,
      %swap3A_53 = arith.index_cast %add3A_38 : i32 to index
      %swap3A_54 = arith.constant 48 : index
      %swap3A_55 = tpu.vector_load %arg8[%swap3A_53, %swap3A_54] {strides = array<i32>} : memref<128x128xf32, #tpu.memory_space<vmem>>, vector<1x16xf32>,
      %swap3A_56 = vector.shape_cast %swap3A_55 : vector<1x16xf32> to vector<16xf32>
      %swap3A_57 = vector.shape_cast %broadcast_in_dim3A_1 : vector<16xf32> to vector<1x16xf32>
      tpu.vector_store %arg8[%swap3A_53, %swap3A_54], %swap3A_57 {strides = array<i32>} : memref<128x128xf32, #tpu.memory_space<vmem>>, vector<1x16xf32>,
      %swap3A_58 = arith.index_cast %add3A_38 : i32 to index
      %swap3A_59 = arith.constant 64 : index
      %swap3A_60 = tpu.vector_load %arg8[%swap3A_58, %swap3A_59] {strides = array<i32>} : memref<128x128xf32, #tpu.memory_space<vmem>>, vector<1x16xf32>,
      %swap3A_61 = vector.shape_cast %swap3A_60 : vector<1x16xf32> to vector<16xf32>
      %swap3A_62 = vector.shape_cast %broadcast_in_dim3A_1 : vector<16xf32> to vector<1x16xf32>
      tpu.vector_store %arg8[%swap3A_58, %swap3A_59], %swap3A_62 {strides = array<i32>} : memref<128x128xf32, #tpu.memory_space<vmem>>, vector<1x16xf32>,
      %swap3A_63 = arith.index_cast %add3A_38 : i32 to index
      %swap3A_64 = arith.constant 80 : index
      %swap3A_65 = tpu.vector_load %arg8[%swap3A_63, %swap3A_64] {strides = array<i32>} : memref<128x128xf32, #tpu.memory_space<vmem>>, vector<1x16xf32>,
      %swap3A_66 = vector.shape_cast %swap3A_65 : vector<1x16xf32> to vector<16xf32>
      %swap3A_67 = vector.shape_cast %broadcast_in_dim3A_1 : vector<16xf32> to vector<1x16xf32>
      tpu.vector_store %arg8[%swap3A_63, %swap3A_64], %swap3A_67 {strides = array<i32>} : memref<128x128xf32, #tpu.memory_space<vmem>>, vector<1x16xf32>,
      %swap3A_68 = arith.index_cast %add3A_38 : i32 to index
      %swap3A_69 = arith.constant 96 : index
      %swap3A_70 = tpu.vector_load %arg8[%swap3A_68, %swap3A_69] {strides = array<i32>} : memref<128x128xf32, #tpu.memory_space<vmem>>, vector<1x16xf32>,
      %swap3A_71 = vector.shape_cast %swap3A_70 : vector<1x16xf32> to vector<16xf32>
      %swap3A_72 = vector.shape_cast %broadcast_in_dim3A_1 : vector<16xf32> to vector<1x16xf32>
      tpu.vector_store %arg8[%swap3A_68, %swap3A_69], %swap3A_72 {strides = array<i32>} : memref<128x128xf32, #tpu.memory_space<vmem>>, vector<1x16xf32>,
      %swap3A_73 = arith.index_cast %add3A_38 : i32 to index
      %swap3A_74 = arith.constant 112 : index
      %swap3A_75 = tpu.vector_load %arg8[%swap3A_73, %swap3A_74] {strides = array<i32>} : memref<128x128xf32, #tpu.memory_space<vmem>>, vector<1x16xf32>,
      %swap3A_76 = vector.shape_cast %swap3A_75 : vector<1x16xf32> to vector<16xf32>
      %swap3A_77 = vector.shape_cast %broadcast_in_dim3A_1 : vector<16xf32> to vector<1x16xf32>
      tpu.vector_store %arg8[%swap3A_73, %swap3A_74], %swap3A_77 {strides = array<i32>} : memref<128x128xf32, #tpu.memory_space<vmem>>, vector<1x16xf32>,
    }
    %scan3A_5 = arith.constant 128 : i32
    %mul3A_6 = arith.constant 640 : i32
    %mul3A_7 = arith.muli %arg1, %mul3A_6 : i32
    %add3A_8 = arith.constant 0 : i32
    %add3A_9 = arith.addi %mul3A_7, %add3A_8 : i32
    "tpu.region"() ({
      %run_scoped3A = tpu.sem_alloc : memref<!tpu.dma_semaphore, #tpu.memory_space<semaphore_mem>>
      %dma_start3A = arith.constant 0 : i32
      %dma_start3A_34 = tpu.memref_slice %arg9[%add3A_9, %dma_start3A] : memref<10240x128xf32, #tpu.memory_space<vmem_shared>> -> memref<128x128xf32, #tpu.memory_space<vmem_shared>>
      %dma_start3A_35 = arith.constant 0 : i32
      %dma_start3A_36 = tpu.memref_slice %arg9[%add3A_9, %dma_start3A_35] : memref<10240x128xf32, #tpu.memory_space<vmem_shared>> -> memref<128x128xf32, #tpu.memory_space<vmem_shared>>
      tpu.enqueue_dma source(%arg8 : memref<128x128xf32, #tpu.memory_space<vmem>>) target(%dma_start3A_36 : memref<128x128xf32, #tpu.memory_space<vmem_shared>>) target_semaphore(%run_scoped3A : memref<!tpu.dma_semaphore, #tpu.memory_space<semaphore_mem>>)
      %dma_wait3A = arith.constant 0 : i32
      %dma_wait3A_37 = tpu.memref_slice %arg9[%add3A_9, %dma_wait3A] : memref<10240x128xf32, #tpu.memory_space<vmem_shared>> -> memref<128x128xf32, #tpu.memory_space<vmem_shared>>
      %dma_wait3A_38 = arith.constant 0 : i32
      %dma_wait3A_39 = tpu.memref_slice %arg9[%add3A_9, %dma_wait3A_38] : memref<10240x128xf32, #tpu.memory_space<vmem_shared>> -> memref<128x128xf32, #tpu.memory_space<vmem_shared>>
      tpu.wait_dma2 semaphore(%run_scoped3A : memref<!tpu.dma_semaphore, #tpu.memory_space<semaphore_mem>>) src(%arg8 : memref<128x128xf32, #tpu.memory_space<vmem>>) dst(%dma_wait3A_39 : memref<128x128xf32, #tpu.memory_space<vmem_shared>>)
      tpu.yield
    }) : () -> ()
    %mul3A_10 = arith.constant 640 : i32
    %mul3A_11 = arith.muli %arg1, %mul3A_10 : i32
    %add3A_12 = arith.constant 128 : i32
    %add3A_13 = arith.addi %mul3A_11, %add3A_12 : i32
    "tpu.region"() ({
      %run_scoped3A = tpu.sem_alloc : memref<!tpu.dma_semaphore, #tpu.memory_space<semaphore_mem>>
      %dma_start3A = arith.constant 0 : i32
      %dma_start3A_34 = tpu.memref_slice %arg9[%add3A_13, %dma_start3A] : memref<10240x128xf32, #tpu.memory_space<vmem_shared>> -> memref<128x128xf32, #tpu.memory_space<vmem_shared>>
      %dma_start3A_35 = arith.constant 0 : i32
      %dma_start3A_36 = tpu.memref_slice %arg9[%add3A_13, %dma_start3A_35] : memref<10240x128xf32, #tpu.memory_space<vmem_shared>> -> memref<128x128xf32, #tpu.memory_space<vmem_shared>>
      tpu.enqueue_dma source(%arg8 : memref<128x128xf32, #tpu.memory_space<vmem>>) target(%dma_start3A_36 : memref<128x128xf32, #tpu.memory_space<vmem_shared>>) target_semaphore(%run_scoped3A : memref<!tpu.dma_semaphore, #tpu.memory_space<semaphore_mem>>)
      %dma_wait3A = arith.constant 0 : i32
      %dma_wait3A_37 = tpu.memref_slice %arg9[%add3A_13, %dma_wait3A] : memref<10240x128xf32, #tpu.memory_space<vmem_shared>> -> memref<128x128xf32, #tpu.memory_space<vmem_shared>>
      %dma_wait3A_38 = arith.constant 0 : i32
      %dma_wait3A_39 = tpu.memref_slice %arg9[%add3A_13, %dma_wait3A_38] : memref<10240x128xf32, #tpu.memory_space<vmem_shared>> -> memref<128x128xf32, #tpu.memory_space<vmem_shared>>
      tpu.wait_dma2 semaphore(%run_scoped3A : memref<!tpu.dma_semaphore, #tpu.memory_space<semaphore_mem>>) src(%arg8 : memref<128x128xf32, #tpu.memory_space<vmem>>) dst(%dma_wait3A_39 : memref<128x128xf32, #tpu.memory_space<vmem_shared>>)
      tpu.yield
    }) : () -> ()
    %mul3A_14 = arith.constant 640 : i32
    %mul3A_15 = arith.muli %arg1, %mul3A_14 : i32
    %add3A_16 = arith.constant 256 : i32
    %add3A_17 = arith.addi %mul3A_15, %add3A_16 : i32
    "tpu.region"() ({
      %run_scoped3A = tpu.sem_alloc : memref<!tpu.dma_semaphore, #tpu.memory_space<semaphore_mem>>
      %dma_start3A = arith.constant 0 : i32
      %dma_start3A_34 = tpu.memref_slice %arg9[%add3A_17, %dma_start3A] : memref<10240x128xf32, #tpu.memory_space<vmem_shared>> -> memref<128x128xf32, #tpu.memory_space<vmem_shared>>
      %dma_start3A_35 = arith.constant 0 : i32
      %dma_start3A_36 = tpu.memref_slice %arg9[%add3A_17, %dma_start3A_35] : memref<10240x128xf32, #tpu.memory_space<vmem_shared>> -> memref<128x128xf32, #tpu.memory_space<vmem_shared>>
      tpu.enqueue_dma source(%arg8 : memref<128x128xf32, #tpu.memory_space<vmem>>) target(%dma_start3A_36 : memref<128x128xf32, #tpu.memory_space<vmem_shared>>) target_semaphore(%run_scoped3A : memref<!tpu.dma_semaphore, #tpu.memory_space<semaphore_mem>>)
      %dma_wait3A = arith.constant 0 : i32
      %dma_wait3A_37 = tpu.memref_slice %arg9[%add3A_17, %dma_wait3A] : memref<10240x128xf32, #tpu.memory_space<vmem_shared>> -> memref<128x128xf32, #tpu.memory_space<vmem_shared>>
      %dma_wait3A_38 = arith.constant 0 : i32
      %dma_wait3A_39 = tpu.memref_slice %arg9[%add3A_17, %dma_wait3A_38] : memref<10240x128xf32, #tpu.memory_space<vmem_shared>> -> memref<128x128xf32, #tpu.memory_space<vmem_shared>>
      tpu.wait_dma2 semaphore(%run_scoped3A : memref<!tpu.dma_semaphore, #tpu.memory_space<semaphore_mem>>) src(%arg8 : memref<128x128xf32, #tpu.memory_space<vmem>>) dst(%dma_wait3A_39 : memref<128x128xf32, #tpu.memory_space<vmem_shared>>)
      tpu.yield
    }) : () -> ()
    %mul3A_18 = arith.constant 640 : i32
    %mul3A_19 = arith.muli %arg1, %mul3A_18 : i32
    %add3A_20 = arith.constant 384 : i32
    %add3A_21 = arith.addi %mul3A_19, %add3A_20 : i32
    "tpu.region"() ({
      %run_scoped3A = tpu.sem_alloc : memref<!tpu.dma_semaphore, #tpu.memory_space<semaphore_mem>>
      %dma_start3A = arith.constant 0 : i32
      %dma_start3A_34 = tpu.memref_slice %arg9[%add3A_21, %dma_start3A] : memref<10240x128xf32, #tpu.memory_space<vmem_shared>> -> memref<128x128xf32, #tpu.memory_space<vmem_shared>>
      %dma_start3A_35 = arith.constant 0 : i32
      %dma_start3A_36 = tpu.memref_slice %arg9[%add3A_21, %dma_start3A_35] : memref<10240x128xf32, #tpu.memory_space<vmem_shared>> -> memref<128x128xf32, #tpu.memory_space<vmem_shared>>
      tpu.enqueue_dma source(%arg8 : memref<128x128xf32, #tpu.memory_space<vmem>>) target(%dma_start3A_36 : memref<128x128xf32, #tpu.memory_space<vmem_shared>>) target_semaphore(%run_scoped3A : memref<!tpu.dma_semaphore, #tpu.memory_space<semaphore_mem>>)
      %dma_wait3A = arith.constant 0 : i32
      %dma_wait3A_37 = tpu.memref_slice %arg9[%add3A_21, %dma_wait3A] : memref<10240x128xf32, #tpu.memory_space<vmem_shared>> -> memref<128x128xf32, #tpu.memory_space<vmem_shared>>
      %dma_wait3A_38 = arith.constant 0 : i32
      %dma_wait3A_39 = tpu.memref_slice %arg9[%add3A_21, %dma_wait3A_38] : memref<10240x128xf32, #tpu.memory_space<vmem_shared>> -> memref<128x128xf32, #tpu.memory_space<vmem_shared>>
      tpu.wait_dma2 semaphore(%run_scoped3A : memref<!tpu.dma_semaphore, #tpu.memory_space<semaphore_mem>>) src(%arg8 : memref<128x128xf32, #tpu.memory_space<vmem>>) dst(%dma_wait3A_39 : memref<128x128xf32, #tpu.memory_space<vmem_shared>>)
      tpu.yield
    }) : () -> ()
    %mul3A_22 = arith.constant 640 : i32
    %mul3A_23 = arith.muli %arg1, %mul3A_22 : i32
    %add3A_24 = arith.constant 512 : i32
    %add3A_25 = arith.addi %mul3A_23, %add3A_24 : i32
    "tpu.region"() ({
      %run_scoped3A = tpu.sem_alloc : memref<!tpu.dma_semaphore, #tpu.memory_space<semaphore_mem>>
      %dma_start3A = arith.constant 0 : i32
      %dma_start3A_34 = tpu.memref_slice %arg9[%add3A_25, %dma_start3A] : memref<10240x128xf32, #tpu.memory_space<vmem_shared>> -> memref<128x128xf32, #tpu.memory_space<vmem_shared>>
      %dma_start3A_35 = arith.constant 0 : i32
      %dma_start3A_36 = tpu.memref_slice %arg9[%add3A_25, %dma_start3A_35] : memref<10240x128xf32, #tpu.memory_space<vmem_shared>> -> memref<128x128xf32, #tpu.memory_space<vmem_shared>>
      tpu.enqueue_dma source(%arg8 : memref<128x128xf32, #tpu.memory_space<vmem>>) target(%dma_start3A_36 : memref<128x128xf32, #tpu.memory_space<vmem_shared>>) target_semaphore(%run_scoped3A : memref<!tpu.dma_semaphore, #tpu.memory_space<semaphore_mem>>)
      %dma_wait3A = arith.constant 0 : i32
      %dma_wait3A_37 = tpu.memref_slice %arg9[%add3A_25, %dma_wait3A] : memref<10240x128xf32, #tpu.memory_space<vmem_shared>> -> memref<128x128xf32, #tpu.memory_space<vmem_shared>>
      %dma_wait3A_38 = arith.constant 0 : i32
      %dma_wait3A_39 = tpu.memref_slice %arg9[%add3A_25, %dma_wait3A_38] : memref<10240x128xf32, #tpu.memory_space<vmem_shared>> -> memref<128x128xf32, #tpu.memory_space<vmem_shared>>
      tpu.wait_dma2 semaphore(%run_scoped3A : memref<!tpu.dma_semaphore, #tpu.memory_space<semaphore_mem>>) src(%arg8 : memref<128x128xf32, #tpu.memory_space<vmem>>) dst(%dma_wait3A_39 : memref<128x128xf32, #tpu.memory_space<vmem_shared>>)
      tpu.yield
    }) : () -> ()
    %barrier3A = arith.constant 0 : index
    tpu.barrier barrier_id(%barrier3A)
    "tpu.region"() ({
      %run_scoped3A = tpu.sem_alloc : memref<!tpu.dma_semaphore, #tpu.memory_space<semaphore_mem>>
      %dma_start3A = arith.constant 0 : i32
      %dma_start3A_34 = arith.constant 0 : i32
      %dma_start3A_35 = tpu.memref_slice %arg3[%add3A, %dma_start3A, %dma_start3A_34] : memref<32x80x128xi32, #tpu.memory_space<hbm>> -> memref<1x80x128xi32, #tpu.memory_space<hbm>>
      %dma_start3A_36 = tpu.memref_squeeze %dma_start3A_35 : memref<1x80x128xi32, #tpu.memory_space<hbm>> -> memref<80x128xi32, #tpu.memory_space<hbm>>
      %dma_start3A_37 = arith.constant 0 : i32
      %dma_start3A_38 = arith.constant 0 : i32
      %dma_start3A_39 = tpu.memref_slice %arg3[%add3A, %dma_start3A_37, %dma_start3A_38] : memref<32x80x128xi32, #tpu.memory_space<hbm>> -> memref<1x80x128xi32, #tpu.memory_space<hbm>>
      %dma_start3A_40 = tpu.memref_squeeze %dma_start3A_39 : memref<1x80x128xi32, #tpu.memory_space<hbm>> -> memref<80x128xi32, #tpu.memory_space<hbm>>
      tpu.enqueue_dma source(%dma_start3A_40 : memref<80x128xi32, #tpu.memory_space<hbm>>) target(%arg6 : memref<80x128xi32, #tpu.memory_space<vmem>>) target_semaphore(%run_scoped3A : memref<!tpu.dma_semaphore, #tpu.memory_space<semaphore_mem>>)
      %dma_wait3A = arith.constant 0 : i32
      %dma_wait3A_41 = arith.constant 0 : i32
      %dma_wait3A_42 = tpu.memref_slice %arg3[%add3A, %dma_wait3A, %dma_wait3A_41] : memref<32x80x128xi32, #tpu.memory_space<hbm>> -> memref<1x80x128xi32, #tpu.memory_space<hbm>>
      %dma_wait3A_43 = tpu.memref_squeeze %dma_wait3A_42 : memref<1x80x128xi32, #tpu.memory_space<hbm>> -> memref<80x128xi32, #tpu.memory_space<hbm>>
      %dma_wait3A_44 = arith.constant 0 : i32
      %dma_wait3A_45 = arith.constant 0 : i32
      %dma_wait3A_46 = tpu.memref_slice %arg3[%add3A, %dma_wait3A_44, %dma_wait3A_45] : memref<32x80x128xi32, #tpu.memory_space<hbm>> -> memref<1x80x128xi32, #tpu.memory_space<hbm>>
      %dma_wait3A_47 = tpu.memref_squeeze %dma_wait3A_46 : memref<1x80x128xi32, #tpu.memory_space<hbm>> -> memref<80x128xi32, #tpu.memory_space<hbm>>
      tpu.wait_dma2 semaphore(%run_scoped3A : memref<!tpu.dma_semaphore, #tpu.memory_space<semaphore_mem>>) src(%dma_wait3A_47 : memref<80x128xi32, #tpu.memory_space<hbm>>) dst(%arg6 : memref<80x128xi32, #tpu.memory_space<vmem>>)
      tpu.yield
    }) : () -> ()
    "tpu.region"() ({
      %run_scoped3A = tpu.sem_alloc : memref<!tpu.dma_semaphore, #tpu.memory_space<semaphore_mem>>
      %dma_start3A = arith.constant 0 : i32
      %dma_start3A_34 = arith.constant 0 : i32
      %dma_start3A_35 = tpu.memref_slice %arg4[%add3A, %dma_start3A, %dma_start3A_34] : memref<32x80x128xi32, #tpu.memory_space<hbm>> -> memref<1x80x128xi32, #tpu.memory_space<hbm>>
      %dma_start3A_36 = tpu.memref_squeeze %dma_start3A_35 : memref<1x80x128xi32, #tpu.memory_space<hbm>> -> memref<80x128xi32, #tpu.memory_space<hbm>>
      %dma_start3A_37 = arith.constant 0 : i32
      %dma_start3A_38 = arith.constant 0 : i32
      %dma_start3A_39 = tpu.memref_slice %arg4[%add3A, %dma_start3A_37, %dma_start3A_38] : memref<32x80x128xi32, #tpu.memory_space<hbm>> -> memref<1x80x128xi32, #tpu.memory_space<hbm>>
      %dma_start3A_40 = tpu.memref_squeeze %dma_start3A_39 : memref<1x80x128xi32, #tpu.memory_space<hbm>> -> memref<80x128xi32, #tpu.memory_space<hbm>>
      tpu.enqueue_dma source(%dma_start3A_40 : memref<80x128xi32, #tpu.memory_space<hbm>>) target(%arg7 : memref<80x128xi32, #tpu.memory_space<vmem>>) target_semaphore(%run_scoped3A : memref<!tpu.dma_semaphore, #tpu.memory_space<semaphore_mem>>)
      %dma_wait3A = arith.constant 0 : i32
      %dma_wait3A_41 = arith.constant 0 : i32
      %dma_wait3A_42 = tpu.memref_slice %arg4[%add3A, %dma_wait3A, %dma_wait3A_41] : memref<32x80x128xi32, #tpu.memory_space<hbm>> -> memref<1x80x128xi32, #tpu.memory_space<hbm>>
      %dma_wait3A_43 = tpu.memref_squeeze %dma_wait3A_42 : memref<1x80x128xi32, #tpu.memory_space<hbm>> -> memref<80x128xi32, #tpu.memory_space<hbm>>
      %dma_wait3A_44 = arith.constant 0 : i32
      %dma_wait3A_45 = arith.constant 0 : i32
      %dma_wait3A_46 = tpu.memref_slice %arg4[%add3A, %dma_wait3A_44, %dma_wait3A_45] : memref<32x80x128xi32, #tpu.memory_space<hbm>> -> memref<1x80x128xi32, #tpu.memory_space<hbm>>
      %dma_wait3A_47 = tpu.memref_squeeze %dma_wait3A_46 : memref<1x80x128xi32, #tpu.memory_space<hbm>> -> memref<80x128xi32, #tpu.memory_space<hbm>>
      tpu.wait_dma2 semaphore(%run_scoped3A : memref<!tpu.dma_semaphore, #tpu.memory_space<semaphore_mem>>) src(%dma_wait3A_47 : memref<80x128xi32, #tpu.memory_space<hbm>>) dst(%arg7 : memref<80x128xi32, #tpu.memory_space<vmem>>)
      tpu.yield
    }) : () -> ()
    %scan3A_26 = arith.constant 0 : i32
    %scan3A_27 = arith.constant 80 : i32
    %scan3A_28 = arith.addi %scan3A_26, %scan3A_27 : i32
    %scan3A_29 = arith.constant 1 : i32
    scf.for %scan3A_34 = %scan3A_26 to %scan3A_28 step %scan3A_29  : i32 {
      %mul3A_35 = arith.constant 1 : i32
      %mul3A_36 = arith.muli %scan3A_34, %mul3A_35 : i32
      %add3A_37 = arith.constant 0 : i32
      %add3A_38 = arith.addi %add3A_37, %mul3A_36 : i32
      %dma_start3A = arith.constant 0 : i32
      %dma_start3A_39 = tpu.memref_slice %arg6[%add3A_38, %dma_start3A] : memref<80x128xi32, #tpu.memory_space<vmem>> -> memref<1x128xi32, #tpu.memory_space<vmem>>
      %dma_start3A_40 = tpu.memref_squeeze %dma_start3A_39 : memref<1x128xi32, #tpu.memory_space<vmem>> -> memref<128xi32, #tpu.memory_space<vmem>>
      %dma_start3A_41 = arith.constant 0 : i32
      %dma_start3A_42 = arith.constant 0 : i32
      %dma_start3A_43 = tpu.memref_slice %arg2[%dma_start3A_41, %dma_start3A_42] : memref<10240x128xf32, #tpu.memory_space<hbm>> -> memref<10240x128xf32, #tpu.memory_space<hbm>>
      tpu.enqueue_indirect_dma source(%dma_start3A_43 : memref<10240x128xf32, #tpu.memory_space<hbm>>) target(%arg8 : memref<128x128xf32, #tpu.memory_space<vmem>>) offsets(%dma_start3A_40 : memref<128xi32, #tpu.memory_space<vmem>>) semaphore(%arg10 : memref<!tpu.dma_semaphore, #tpu.memory_space<semaphore_mem>>)
      %dma_wait3A = arith.constant 0 : i32
      %dma_wait3A_44 = tpu.memref_slice %arg6[%add3A_38, %dma_wait3A] : memref<80x128xi32, #tpu.memory_space<vmem>> -> memref<1x128xi32, #tpu.memory_space<vmem>>
      %dma_wait3A_45 = tpu.memref_squeeze %dma_wait3A_44 : memref<1x128xi32, #tpu.memory_space<vmem>> -> memref<128xi32, #tpu.memory_space<vmem>>
      %dma_wait3A_46 = arith.constant 0 : i32
      %dma_wait3A_47 = arith.constant 0 : i32
      %dma_wait3A_48 = tpu.memref_slice %arg2[%dma_wait3A_46, %dma_wait3A_47] : memref<10240x128xf32, #tpu.memory_space<hbm>> -> memref<10240x128xf32, #tpu.memory_space<hbm>>
      tpu.wait_indirect_dma semaphore(%arg10 : memref<!tpu.dma_semaphore, #tpu.memory_space<semaphore_mem>>) src(%dma_wait3A_48 : memref<10240x128xf32, #tpu.memory_space<hbm>>) dst(%arg8 : memref<128x128xf32, #tpu.memory_space<vmem>>)
      "tpu.region"() ({
        %run_scoped3A = tpu.sem_alloc : memref<!tpu.dma_semaphore, #tpu.memory_space<semaphore_mem>>
        %dma_start3A_49 = arith.constant 0 : i32
        %dma_start3A_50 = tpu.memref_slice %arg7[%add3A_38, %dma_start3A_49] : memref<80x128xi32, #tpu.memory_space<vmem>> -> memref<1x128xi32, #tpu.memory_space<vmem>>
        %dma_start3A_51 = tpu.memref_squeeze %dma_start3A_50 : memref<1x128xi32, #tpu.memory_space<vmem>> -> memref<128xi32, #tpu.memory_space<vmem>>
        %dma_start3A_52 = arith.constant 0 : i32
        %dma_start3A_53 = arith.constant 0 : i32
        %dma_start3A_54 = tpu.memref_slice %arg9[%dma_start3A_52, %dma_start3A_53] : memref<10240x128xf32, #tpu.memory_space<vmem_shared>> -> memref<10240x128xf32, #tpu.memory_space<vmem_shared>>
        tpu.enqueue_indirect_dma source(%arg8 : memref<128x128xf32, #tpu.memory_space<vmem>>) target(%dma_start3A_54 : memref<10240x128xf32, #tpu.memory_space<vmem_shared>>) offsets(%dma_start3A_51 : memref<128xi32, #tpu.memory_space<vmem>>) semaphore(%run_scoped3A : memref<!tpu.dma_semaphore, #tpu.memory_space<semaphore_mem>>) {add = true}
        %dma_wait3A_55 = arith.constant 0 : i32
        %dma_wait3A_56 = tpu.memref_slice %arg7[%add3A_38, %dma_wait3A_55] : memref<80x128xi32, #tpu.memory_space<vmem>> -> memref<1x128xi32, #tpu.memory_space<vmem>>
        %dma_wait3A_57 = tpu.memref_squeeze %dma_wait3A_56 : memref<1x128xi32, #tpu.memory_space<vmem>> -> memref<128xi32, #tpu.memory_space<vmem>>
        %dma_wait3A_58 = arith.constant 0 : i32
        %dma_wait3A_59 = arith.constant 0 : i32
        %dma_wait3A_60 = tpu.memref_slice %arg9[%dma_wait3A_58, %dma_wait3A_59] : memref<10240x128xf32, #tpu.memory_space<vmem_shared>> -> memref<10240x128xf32, #tpu.memory_space<vmem_shared>>
        tpu.wait_indirect_dma semaphore(%run_scoped3A : memref<!tpu.dma_semaphore, #tpu.memory_space<semaphore_mem>>) src(%arg8 : memref<128x128xf32, #tpu.memory_space<vmem>>) dst(%dma_wait3A_60 : memref<10240x128xf32, #tpu.memory_space<vmem_shared>>)
        tpu.yield
      }) : () -> ()
    }
    %scan3A_30 = arith.constant 80 : i32
    %barrier3A_31 = arith.constant 0 : index
    tpu.barrier barrier_id(%barrier3A_31)
    %mul3A_32 = arith.constant 640 : i32
    %mul3A_33 = arith.muli %arg1, %mul3A_32 : i32
    "tpu.region"() ({
      %run_scoped3A = tpu.sem_alloc : memref<!tpu.dma_semaphore, #tpu.memory_space<semaphore_mem>>
      %dma_start3A = arith.constant 0 : i32
      %dma_start3A_34 = arith.constant 0 : i32
      %dma_start3A_35 = arith.constant 0 : i32
      %dma_start3A_36 = tpu.memref_slice %arg5[%arg0, %dma_start3A, %dma_start3A_34, %dma_start3A_35] : memref<2x16x640x128xf32, #tpu.memory_space<hbm>> -> memref<1x16x640x128xf32, #tpu.memory_space<hbm>>
      %dma_start3A_37 = tpu.memref_squeeze %dma_start3A_36 : memref<1x16x640x128xf32, #tpu.memory_space<hbm>> -> memref<16x640x128xf32, #tpu.memory_space<hbm>>
      %dma_start3A_38 = arith.constant 0 : i32
      %dma_start3A_39 = arith.constant 0 : i32
      %dma_start3A_40 = tpu.memref_slice %dma_start3A_37[%arg1, %dma_start3A_38, %dma_start3A_39] : memref<16x640x128xf32, #tpu.memory_space<hbm>> -> memref<1x640x128xf32, #tpu.memory_space<hbm>>
      %dma_start3A_41 = tpu.memref_squeeze %dma_start3A_40 : memref<1x640x128xf32, #tpu.memory_space<hbm>> -> memref<640x128xf32, #tpu.memory_space<hbm>>
      %dma_start3A_42 = arith.constant 0 : i32
      %dma_start3A_43 = tpu.memref_slice %arg9[%mul3A_33, %dma_start3A_42] : memref<10240x128xf32, #tpu.memory_space<vmem_shared>> -> memref<640x128xf32, #tpu.memory_space<vmem_shared>>
      tpu.enqueue_dma source(%dma_start3A_43 : memref<640x128xf32, #tpu.memory_space<vmem_shared>>) target(%dma_start3A_41 : memref<640x128xf32, #tpu.memory_space<hbm>>) target_semaphore(%run_scoped3A : memref<!tpu.dma_semaphore, #tpu.memory_space<semaphore_mem>>)
      %dma_wait3A = arith.constant 0 : i32
      %dma_wait3A_44 = arith.constant 0 : i32
      %dma_wait3A_45 = arith.constant 0 : i32
      %dma_wait3A_46 = tpu.memref_slice %arg5[%arg0, %dma_wait3A, %dma_wait3A_44, %dma_wait3A_45] : memref<2x16x640x128xf32, #tpu.memory_space<hbm>> -> memref<1x16x640x128xf32, #tpu.memory_space<hbm>>
      %dma_wait3A_47 = tpu.memref_squeeze %dma_wait3A_46 : memref<1x16x640x128xf32, #tpu.memory_space<hbm>> -> memref<16x640x128xf32, #tpu.memory_space<hbm>>
      %dma_wait3A_48 = arith.constant 0 : i32
      %dma_wait3A_49 = arith.constant 0 : i32
      %dma_wait3A_50 = tpu.memref_slice %dma_wait3A_47[%arg1, %dma_wait3A_48, %dma_wait3A_49] : memref<16x640x128xf32, #tpu.memory_space<hbm>> -> memref<1x640x128xf32, #tpu.memory_space<hbm>>
      %dma_wait3A_51 = tpu.memref_squeeze %dma_wait3A_50 : memref<1x640x128xf32, #tpu.memory_space<hbm>> -> memref<640x128xf32, #tpu.memory_space<hbm>>
      %dma_wait3A_52 = arith.constant 0 : i32
      %dma_wait3A_53 = tpu.memref_slice %arg9[%mul3A_33, %dma_wait3A_52] : memref<10240x128xf32, #tpu.memory_space<vmem_shared>> -> memref<640x128xf32, #tpu.memory_space<vmem_shared>>
      tpu.wait_dma2 semaphore(%run_scoped3A : memref<!tpu.dma_semaphore, #tpu.memory_space<semaphore_mem>>) src(%dma_wait3A_53 : memref<640x128xf32, #tpu.memory_space<vmem_shared>>) dst(%dma_wait3A_51 : memref<640x128xf32, #tpu.memory_space<hbm>>)
      tpu.yield
    }) : () -> ()
    return
  }
}

module attributes {stable_mosaic.version = 14 : i64} {
  func.func @_tc1_body(%arg0: i32, %arg1: memref<1024x128xf32, #tpu.memory_space<vmem>>, %arg2: memref<1024x1xf32, #tpu.memory_space<vmem>>, %arg3: memref<1024x1xf32, #tpu.memory_space<vmem>>, %arg4: memref<128x128xf32, #tpu.memory_space<vmem>>, %arg5: memref<1024x128xf32, #tpu.memory_space<vmem>>) attributes {dimension_semantics = [#tpu.dimension_semantics<arbitrary>], iteration_bounds = array<i64: 10>, scalar_prefetch = 0 : i64, scratch_operands = 0 : i64, tpu.core_type = #tpu.core_type<tc>, window_params = [{transform_indices = @transform_0, window_bounds = array<i64: 1024, 128>}, {transform_indices = @transform_1, window_bounds = array<i64: 1024, 1>}, {transform_indices = @transform_2, window_bounds = array<i64: 1024, 1>}, {pipeline_mode = #tpu.pipeline_mode<synchronous>, transform_indices = @transform_3, window_bounds = array<i64: 128, 128>}, {transform_indices = @transform_4, window_bounds = array<i64: 1024, 128>}]} {
    %get3A = arith.constant 0 : index
    %get3A_0 = arith.constant 0 : index
    %get3A_1 = vector.load %arg2[%get3A, %get3A_0] : memref<1024x1xf32, #tpu.memory_space<vmem>>, vector<1024x1xf32>
    %get3A_2 = arith.constant 0 : index
    %get3A_3 = arith.constant 0 : index
    %get3A_4 = vector.load %arg3[%get3A_2, %get3A_3] : memref<1024x1xf32, #tpu.memory_space<vmem>>, vector<1024x1xf32>
    %add3A = arith.addf %get3A_1, %get3A_4 : vector<1024x1xf32>
    %add3A_5 = arith.constant 1.000000e+00 : f32
    %add3A_6 = vector.broadcast %add3A_5 : f32 to vector<1024x1xf32>
    %add3A_7 = arith.addf %add3A, %add3A_6 : vector<1024x1xf32>
    %rsqrt3A = math.rsqrt %add3A_7 : vector<1024x1xf32>
    %get3A_8 = arith.constant 0 : index
    %get3A_9 = arith.constant 0 : index
    %get3A_10 = vector.load %arg1[%get3A_8, %get3A_9] : memref<1024x128xf32, #tpu.memory_space<vmem>>, vector<1024x128xf32>
    %get3A_11 = arith.constant 0 : index
    %get3A_12 = arith.constant 0 : index
    %get3A_13 = vector.load %arg4[%get3A_11, %get3A_12] : memref<128x128xf32, #tpu.memory_space<vmem>>, vector<128x128xf32>
    %dot_general3A = arith.constant dense<0.000000e+00> : vector<1024x128xf32>
    %dot_general3A_14 = tpu.matmul %get3A_10, %get3A_13, %dot_general3A {dimension_numbers = #tpu.dot_dimension_numbers<[1], [0], [0], [1], [0, 0, 1, 1], [], []>, transpose_lhs_hint = false} : vector<1024x128xf32>, vector<128x128xf32>, vector<1024x128xf32> -> vector<1024x128xf32>
    %mul3A = vector.broadcast %rsqrt3A : vector<1024x1xf32> to vector<1024x128xf32>
    %mul3A_15 = arith.mulf %dot_general3A_14, %mul3A : vector<1024x128xf32>
    %swap3A = arith.constant 0 : index
    %swap3A_16 = arith.constant 0 : index
    %swap3A_17 = vector.load %arg5[%swap3A, %swap3A_16] : memref<1024x128xf32, #tpu.memory_space<vmem>>, vector<1024x128xf32>
    tpu.vector_store %arg5[%swap3A, %swap3A_16], %mul3A_15 {strides = array<i32>} : memref<1024x128xf32, #tpu.memory_space<vmem>>, vector<1024x128xf32>,
    return
  }
  func.func @transform_0(%arg0: i32) -> (i32, i32) {
    %c0_i32 = arith.constant 0 : i32
    %c0_i32_0 = arith.constant 0 : i32
    return %arg0, %c0_i32 : i32, i32
  }
  func.func @transform_1(%arg0: i32) -> (i32, i32) {
    %c0_i32 = arith.constant 0 : i32
    %c0_i32_0 = arith.constant 0 : i32
    return %arg0, %c0_i32 : i32, i32
  }
  func.func @transform_2(%arg0: i32) -> (i32, i32) {
    %c0_i32 = arith.constant 0 : i32
    %c0_i32_0 = arith.constant 0 : i32
    return %arg0, %c0_i32 : i32, i32
  }
  func.func @transform_3(%arg0: i32) -> (i32, i32) {
    %c0_i32 = arith.constant 0 : i32
    %c0_i32_0 = arith.constant 0 : i32
    %c0_i32_1 = arith.constant 0 : i32
    return %c0_i32, %c0_i32_0 : i32, i32
  }
  func.func @transform_4(%arg0: i32) -> (i32, i32) {
    %c0_i32 = arith.constant 0 : i32
    %c0_i32_0 = arith.constant 0 : i32
    return %arg0, %c0_i32 : i32, i32
  }
}

module attributes {stable_mosaic.version = 14 : i64} {
  func.func @_tc3_body(%arg0: i32, %arg1: memref<1024x128xf32, #tpu.memory_space<vmem>>, %arg2: memref<1024x128xf32, #tpu.memory_space<vmem>>, %arg3: memref<1024x128xf32, #tpu.memory_space<vmem>>, %arg4: memref<1024x1xf32, #tpu.memory_space<vmem>>, %arg5: memref<1024x1xf32, #tpu.memory_space<vmem>>, %arg6: memref<1x128xf32, #tpu.memory_space<vmem>>, %arg7: memref<1x128xf32, #tpu.memory_space<vmem>>, %arg8: memref<8x128xf32, #tpu.memory_space<vmem>>) attributes {dimension_semantics = [#tpu.dimension_semantics<arbitrary>], iteration_bounds = array<i64: 10>, scalar_prefetch = 0 : i64, scratch_operands = 0 : i64, tpu.core_type = #tpu.core_type<tc>, window_params = [{transform_indices = @transform_0, window_bounds = array<i64: 1024, 128>}, {transform_indices = @transform_1, window_bounds = array<i64: 1024, 128>}, {transform_indices = @transform_2, window_bounds = array<i64: 1024, 128>}, {transform_indices = @transform_3, window_bounds = array<i64: 1024, 1>}, {transform_indices = @transform_4, window_bounds = array<i64: 1024, 1>}, {pipeline_mode = #tpu.pipeline_mode<synchronous>, transform_indices = @transform_5, window_bounds = array<i64: 1, 128>}, {pipeline_mode = #tpu.pipeline_mode<synchronous>, transform_indices = @transform_6, window_bounds = array<i64: 1, 128>}, {transform_indices = @transform_7, window_bounds = array<i64: 8, 128>}]} {
    %get3A = arith.constant 0 : index
    %get3A_0 = arith.constant 0 : index
    %get3A_1 = vector.load %arg4[%get3A, %get3A_0] : memref<1024x1xf32, #tpu.memory_space<vmem>>, vector<1024x1xf32>
    %get3A_2 = arith.constant 0 : index
    %get3A_3 = arith.constant 0 : index
    %get3A_4 = vector.load %arg5[%get3A_2, %get3A_3] : memref<1024x1xf32, #tpu.memory_space<vmem>>, vector<1024x1xf32>
    %add3A = arith.addf %get3A_1, %get3A_4 : vector<1024x1xf32>
    %add3A_5 = arith.constant 1.000000e+00 : f32
    %add3A_6 = vector.broadcast %add3A_5 : f32 to vector<1024x1xf32>
    %add3A_7 = arith.addf %add3A, %add3A_6 : vector<1024x1xf32>
    %rsqrt3A = math.rsqrt %add3A_7 : vector<1024x1xf32>
    %get3A_8 = arith.constant 0 : index
    %get3A_9 = arith.constant 0 : index
    %get3A_10 = vector.load %arg1[%get3A_8, %get3A_9] : memref<1024x128xf32, #tpu.memory_space<vmem>>, vector<1024x128xf32>
    %get3A_11 = arith.constant 0 : index
    %get3A_12 = arith.constant 0 : index
    %get3A_13 = vector.load %arg2[%get3A_11, %get3A_12] : memref<1024x128xf32, #tpu.memory_space<vmem>>, vector<1024x128xf32>
    %add3A_14 = arith.addf %get3A_10, %get3A_13 : vector<1024x128xf32>
    %get3A_15 = arith.constant 0 : index
    %get3A_16 = arith.constant 0 : index
    %get3A_17 = vector.load %arg3[%get3A_15, %get3A_16] : memref<1024x128xf32, #tpu.memory_space<vmem>>, vector<1024x128xf32>
    %add3A_18 = arith.addf %add3A_14, %get3A_17 : vector<1024x128xf32>
    %mul3A = vector.broadcast %rsqrt3A : vector<1024x1xf32> to vector<1024x128xf32>
    %mul3A_19 = arith.mulf %add3A_18, %mul3A : vector<1024x128xf32>
    %get3A_20 = arith.constant 0 : index
    %get3A_21 = arith.constant 0 : index
    %get3A_22 = vector.load %arg6[%get3A_20, %get3A_21] : memref<1x128xf32, #tpu.memory_space<vmem>>, vector<1x128xf32>
    %add3A_23 = vector.broadcast %get3A_22 : vector<1x128xf32> to vector<1024x128xf32>
    %add3A_24 = arith.addf %mul3A_19, %add3A_23 : vector<1024x128xf32>
    %max3A = arith.constant 0.000000e+00 : f32
    %max3A_25 = vector.broadcast %max3A : f32 to vector<1024x128xf32>
    %max3A_26 = arith.maximumf %add3A_24, %max3A_25 : vector<1024x128xf32>
    %get3A_27 = arith.constant 0 : index
    %get3A_28 = arith.constant 0 : index
    %get3A_29 = vector.load %arg7[%get3A_27, %get3A_28] : memref<1x128xf32, #tpu.memory_space<vmem>>, vector<1x128xf32>
    %mul3A_30 = vector.broadcast %get3A_29 : vector<1x128xf32> to vector<1024x128xf32>
    %mul3A_31 = arith.mulf %max3A_26, %mul3A_30 : vector<1024x128xf32>
    %reduce_sum3A = arith.constant dense<0.000000e+00> : vector<1024xf32>
    %reduce_sum3A_32 = vector.multi_reduction <add>, %mul3A_31, %reduce_sum3A [1] : vector<1024x128xf32> to vector<1024xf32>
    %reshape3A = vector.shape_cast %reduce_sum3A_32 : vector<1024xf32> to vector<8x128xf32>
    %swap3A = arith.constant 0 : index
    %swap3A_33 = arith.constant 0 : index
    %swap3A_34 = vector.load %arg8[%swap3A, %swap3A_33] : memref<8x128xf32, #tpu.memory_space<vmem>>, vector<8x128xf32>
    tpu.vector_store %arg8[%swap3A, %swap3A_33], %reshape3A {strides = array<i32>} : memref<8x128xf32, #tpu.memory_space<vmem>>, vector<8x128xf32>,
    return
  }
  func.func @transform_0(%arg0: i32) -> (i32, i32) {
    %c0_i32 = arith.constant 0 : i32
    %c0_i32_0 = arith.constant 0 : i32
    return %arg0, %c0_i32 : i32, i32
  }
  func.func @transform_1(%arg0: i32) -> (i32, i32) {
    %c0_i32 = arith.constant 0 : i32
    %c0_i32_0 = arith.constant 0 : i32
    return %arg0, %c0_i32 : i32, i32
  }
  func.func @transform_2(%arg0: i32) -> (i32, i32) {
    %c0_i32 = arith.constant 0 : i32
    %c0_i32_0 = arith.constant 0 : i32
    return %arg0, %c0_i32 : i32, i32
  }
  func.func @transform_3(%arg0: i32) -> (i32, i32) {
    %c0_i32 = arith.constant 0 : i32
    %c0_i32_0 = arith.constant 0 : i32
    return %arg0, %c0_i32 : i32, i32
  }
  func.func @transform_4(%arg0: i32) -> (i32, i32) {
    %c0_i32 = arith.constant 0 : i32
    %c0_i32_0 = arith.constant 0 : i32
    return %arg0, %c0_i32 : i32, i32
  }
  func.func @transform_5(%arg0: i32) -> (i32, i32) {
    %c0_i32 = arith.constant 0 : i32
    %c0_i32_0 = arith.constant 0 : i32
    %c0_i32_1 = arith.constant 0 : i32
    return %c0_i32, %c0_i32_0 : i32, i32
  }
  func.func @transform_6(%arg0: i32) -> (i32, i32) {
    %c0_i32 = arith.constant 0 : i32
    %c0_i32_0 = arith.constant 0 : i32
    %c0_i32_1 = arith.constant 0 : i32
    return %c0_i32, %c0_i32_0 : i32, i32
  }
  func.func @transform_7(%arg0: i32) -> (i32, i32) {
    %c0_i32 = arith.constant 0 : i32
    %c0_i32_0 = arith.constant 0 : i32
    return %arg0, %c0_i32 : i32, i32
  }
}

module attributes {stable_mosaic.version = 14 : i64} {
  func.func @_tc2_body(%arg0: i32, %arg1: memref<1024x128xf32, #tpu.memory_space<vmem>>, %arg2: memref<1024x128xf32, #tpu.memory_space<vmem>>, %arg3: memref<1024x128xf32, #tpu.memory_space<vmem>>, %arg4: memref<1024x1xf32, #tpu.memory_space<vmem>>, %arg5: memref<1024x1xf32, #tpu.memory_space<vmem>>, %arg6: memref<1x128xf32, #tpu.memory_space<vmem>>, %arg7: memref<128x128xf32, #tpu.memory_space<vmem>>, %arg8: memref<1024x128xf32, #tpu.memory_space<vmem>>) attributes {dimension_semantics = [#tpu.dimension_semantics<arbitrary>], iteration_bounds = array<i64: 10>, scalar_prefetch = 0 : i64, scratch_operands = 0 : i64, tpu.core_type = #tpu.core_type<tc>, window_params = [{transform_indices = @transform_0, window_bounds = array<i64: 1024, 128>}, {transform_indices = @transform_1, window_bounds = array<i64: 1024, 128>}, {transform_indices = @transform_2, window_bounds = array<i64: 1024, 128>}, {transform_indices = @transform_3, window_bounds = array<i64: 1024, 1>}, {transform_indices = @transform_4, window_bounds = array<i64: 1024, 1>}, {pipeline_mode = #tpu.pipeline_mode<synchronous>, transform_indices = @transform_5, window_bounds = array<i64: 1, 128>}, {pipeline_mode = #tpu.pipeline_mode<synchronous>, transform_indices = @transform_6, window_bounds = array<i64: 128, 128>}, {transform_indices = @transform_7, window_bounds = array<i64: 1024, 128>}]} {
    %get3A = arith.constant 0 : index
    %get3A_0 = arith.constant 0 : index
    %get3A_1 = vector.load %arg4[%get3A, %get3A_0] : memref<1024x1xf32, #tpu.memory_space<vmem>>, vector<1024x1xf32>
    %get3A_2 = arith.constant 0 : index
    %get3A_3 = arith.constant 0 : index
    %get3A_4 = vector.load %arg5[%get3A_2, %get3A_3] : memref<1024x1xf32, #tpu.memory_space<vmem>>, vector<1024x1xf32>
    %add3A = arith.addf %get3A_1, %get3A_4 : vector<1024x1xf32>
    %add3A_5 = arith.constant 1.000000e+00 : f32
    %add3A_6 = vector.broadcast %add3A_5 : f32 to vector<1024x1xf32>
    %add3A_7 = arith.addf %add3A, %add3A_6 : vector<1024x1xf32>
    %rsqrt3A = math.rsqrt %add3A_7 : vector<1024x1xf32>
    %get3A_8 = arith.constant 0 : index
    %get3A_9 = arith.constant 0 : index
    %get3A_10 = vector.load %arg1[%get3A_8, %get3A_9] : memref<1024x128xf32, #tpu.memory_space<vmem>>, vector<1024x128xf32>
    %get3A_11 = arith.constant 0 : index
    %get3A_12 = arith.constant 0 : index
    %get3A_13 = vector.load %arg2[%get3A_11, %get3A_12] : memref<1024x128xf32, #tpu.memory_space<vmem>>, vector<1024x128xf32>
    %add3A_14 = arith.addf %get3A_10, %get3A_13 : vector<1024x128xf32>
    %get3A_15 = arith.constant 0 : index
    %get3A_16 = arith.constant 0 : index
    %get3A_17 = vector.load %arg3[%get3A_15, %get3A_16] : memref<1024x128xf32, #tpu.memory_space<vmem>>, vector<1024x128xf32>
    %add3A_18 = arith.addf %add3A_14, %get3A_17 : vector<1024x128xf32>
    %mul3A = vector.broadcast %rsqrt3A : vector<1024x1xf32> to vector<1024x128xf32>
    %mul3A_19 = arith.mulf %add3A_18, %mul3A : vector<1024x128xf32>
    %get3A_20 = arith.constant 0 : index
    %get3A_21 = arith.constant 0 : index
    %get3A_22 = vector.load %arg6[%get3A_20, %get3A_21] : memref<1x128xf32, #tpu.memory_space<vmem>>, vector<1x128xf32>
    %add3A_23 = vector.broadcast %get3A_22 : vector<1x128xf32> to vector<1024x128xf32>
    %add3A_24 = arith.addf %mul3A_19, %add3A_23 : vector<1024x128xf32>
    %max3A = arith.constant 0.000000e+00 : f32
    %max3A_25 = vector.broadcast %max3A : f32 to vector<1024x128xf32>
    %max3A_26 = arith.maximumf %add3A_24, %max3A_25 : vector<1024x128xf32>
    %get3A_27 = arith.constant 0 : index
    %get3A_28 = arith.constant 0 : index
    %get3A_29 = vector.load %arg7[%get3A_27, %get3A_28] : memref<128x128xf32, #tpu.memory_space<vmem>>, vector<128x128xf32>
    %dot_general3A = arith.constant dense<0.000000e+00> : vector<1024x128xf32>
    %dot_general3A_30 = tpu.matmul %max3A_26, %get3A_29, %dot_general3A {dimension_numbers = #tpu.dot_dimension_numbers<[1], [0], [0], [1], [0, 0, 1, 1], [], []>, transpose_lhs_hint = false} : vector<1024x128xf32>, vector<128x128xf32>, vector<1024x128xf32> -> vector<1024x128xf32>
    %mul3A_31 = vector.broadcast %rsqrt3A : vector<1024x1xf32> to vector<1024x128xf32>
    %mul3A_32 = arith.mulf %dot_general3A_30, %mul3A_31 : vector<1024x128xf32>
    %swap3A = arith.constant 0 : index
    %swap3A_33 = arith.constant 0 : index
    %swap3A_34 = vector.load %arg8[%swap3A, %swap3A_33] : memref<1024x128xf32, #tpu.memory_space<vmem>>, vector<1024x128xf32>
    tpu.vector_store %arg8[%swap3A, %swap3A_33], %mul3A_32 {strides = array<i32>} : memref<1024x128xf32, #tpu.memory_space<vmem>>, vector<1024x128xf32>,
    return
  }
  func.func @transform_0(%arg0: i32) -> (i32, i32) {
    %c0_i32 = arith.constant 0 : i32
    %c0_i32_0 = arith.constant 0 : i32
    return %arg0, %c0_i32 : i32, i32
  }
  func.func @transform_1(%arg0: i32) -> (i32, i32) {
    %c0_i32 = arith.constant 0 : i32
    %c0_i32_0 = arith.constant 0 : i32
    return %arg0, %c0_i32 : i32, i32
  }
  func.func @transform_2(%arg0: i32) -> (i32, i32) {
    %c0_i32 = arith.constant 0 : i32
    %c0_i32_0 = arith.constant 0 : i32
    return %arg0, %c0_i32 : i32, i32
  }
  func.func @transform_3(%arg0: i32) -> (i32, i32) {
    %c0_i32 = arith.constant 0 : i32
    %c0_i32_0 = arith.constant 0 : i32
    return %arg0, %c0_i32 : i32, i32
  }
  func.func @transform_4(%arg0: i32) -> (i32, i32) {
    %c0_i32 = arith.constant 0 : i32
    %c0_i32_0 = arith.constant 0 : i32
    return %arg0, %c0_i32 : i32, i32
  }
  func.func @transform_5(%arg0: i32) -> (i32, i32) {
    %c0_i32 = arith.constant 0 : i32
    %c0_i32_0 = arith.constant 0 : i32
    %c0_i32_1 = arith.constant 0 : i32
    return %c0_i32, %c0_i32_0 : i32, i32
  }
  func.func @transform_6(%arg0: i32) -> (i32, i32) {
    %c0_i32 = arith.constant 0 : i32
    %c0_i32_0 = arith.constant 0 : i32
    %c0_i32_1 = arith.constant 0 : i32
    return %c0_i32, %c0_i32_0 : i32, i32
  }
  func.func @transform_7(%arg0: i32) -> (i32, i32) {
    %c0_i32 = arith.constant 0 : i32
    %c0_i32_0 = arith.constant 0 : i32
    return %arg0, %c0_i32 : i32, i32
  }
}

</mosaic_0001>

<sc_bundles>
// kernel: kernel.11.cloned.1.call-start
scs
__scs_entry_jumppad:
0x0: {  	(pc) =	sbr.rel $0x88, $3  }
0x1: {  	(tag) =	ssettag $0x0;
	lr =	simm.s32 $0x1  }
0x2: {  	[smem:$0x3F99] =	sst lr;
	_ =	strace $0xD0000000  }
0x3: {  	_ = 	snop  }
0x4: {  	_ = 	snop  }
0x5: {  	_ = 	snop  }
0x6: {  	_ = 	snop  }
0x7: {  	_ = 	snop  }
__scs_overlays_trampoline_lowered:
0x8: {  	[smem:$0x3FA8] =	sst s0  }
0x9: {  	[smem:$0x3FA9] =	sst s1  }
0xa: {  	[smem:$0x3FAA] =	sst s2  }
0xb: {  	[smem:$0x3FAB] =	sst s3  }
0xc: {  	[smem:$0x3FAC] =	sst s4  }
0xd: {  	[smem:$0x3FAD] =	sst s5  }
0xe: {  	[smem:$0x3FAE] =	sst s6  }
0xf: {  	[smem:$0x3FAF] =	sst s7  }
0x10: {  	[smem:$0x3FB0] =	sst s8  }
0x11: {  	[smem:$0x3FB1] =	sst s9;
	s0 =	simm.s32 @!p0 $0x0  }
0x12: {  	s1 =	sld [smem:$0x3F97];
	s0 =	simm.s32 @p0 $0x1  }
0x13: {  	[smem:$0x3FB2] =	sst s0;
	s0 =	simm.s32 @!p1 $0x0  }
0x14: {  	s2 =	sld [smem:$0x3F96];
	s0 =	simm.s32 @p1 $0x1  }
0x15: {  	[smem:$0x3FB3] =	sst s0;
	s0 =	simm.s32 @!p2 $0x0  }
0x16: {  	s3 =	sld [smem:$0x3FDB];
	s0 =	simm.s32 @p2 $0x1  }
0x17: {  	s4 =	simm.s32 $0x1BF5;
	[smem:$0x3FB5] =	sst s0  }
0x18: {  	s0 =	sld [smem:$0x3F98];
	_ =	swait.ge [sflag:s4], $0x0  }
0x19: {  	s7 =	sld [smem:$0x3F99]  }
0x1a: {  	s8 =	sadd.s32 $0xFFFFE003, lr  }
0x1b: {  	s9 =	sadd.s32 $0xFFFFFEF7, lr;
	s5 =	simm.s32 $0xFFFFFFFF;
	p2 =	slt.u32 s8, $0xFFFFF086  }
0x1c: {  	p1 =	slt.u32 s9, $0xF7A;
	s5 =	simm.s32 @!p2 $0x0  }
0x1d: {  	s5 =	simm.s32 @p1 $0x1;
	p0 =	seq.s32 s7, s2  }
0x1e: {  	s7 =	smul.u32 @!p0 $0xF7A, s2;
	p2 =	seq.s32 @!p0 s5, $0x0  }
0x1f: {  	s9 =	smul.u32 $0xF7A, s1;
	s8 =	simm.s32 @!p0 $0x1BF5;
	p2 =	por !p2, p0  }
0x20: {  	[sflag:s8] =	ssyncset.s32 @!p0 $0xFFFFF086;
	s6 =	sadd.s32 @!p0 s3, s7;
	s7 =	simm.s32 @!p0 $0x108  }
0x21: {  	s3 =	sadd.s32 s3, s9;
	s6 =	sadd.s32 @!p0 $0x88, s6;
	s7 =	simm.s32 @p2 $0x1082  }
0x22: {  	[simem:s7], [sflag:s8] =	dma.local @!p0 [hbm:s6], $0xF7A  }
0x23: {  	s9 =	sor.u32 $0xD0000000, s2;
	s6 =	simm.s32 $0x108;
	_ =	swait.ge @!p0 [sflag:s8], $0x0  }
0x24: {  	s3 =	sadd.s32 $0x88, s3;
	s6 =	simm.s32 @!p1 $0x1082;
	[sflag:s4] =	ssyncset.s32 $0xFFFFF086  }
0x25: {  	[simem:s6], [sflag:s4] =	dma.local [hbm:s3], $0xF7A  }
0x26: {  	[smem:$0x3F99] =	sst s1;
	(tag) =	ssettag s2;
	_ =	strace s9  }
0x27: {  	s1 =	sld [smem:$0x3FA9]  }
0x28: {  	s2 =	sld [smem:$0x3FAA]  }
0x29: {  	s4 =	sld [smem:$0x3FAC]  }
0x2a: {  	p0 =	seq.s32 s5, $0x0;
	s5 =	sld [smem:$0x3FAD]  }
0x2b: {  	s6 =	sld [smem:$0x3FAE]  }
0x2c: {  	s7 =	sld [smem:$0x3FAF]  }
0x2d: {  	s3 =	simm.s32 $0x108;
	s8 =	sld [smem:$0x3FB0]  }
0x2e: {  	s3 =	simm.s32 @!p0 $0x1082;
	s9 =	sld [smem:$0x3FB1]  }
0x2f: {  	lr =	sadd.s32 s0, s3;
	s0 =	sld [smem:$0x3FA8]  }
0x30: {  	s3 =	sld [smem:$0x3FAB]  }
0x31: {  	[smem:$0x3FB4] =	sst s10  }
0x32: {  	s10 =	sld [smem:$0x3FB2];
	_ =	sdelay $0x3  }
0x33: {  	p0 =	seq.s32 s10, $0x1;
	s10 =	sld [smem:$0x3FB4];
	_ =	sdelay $0x3  }
0x34: {  	[smem:$0x3FB4] =	sst s10  }
0x35: {  	s10 =	sld [smem:$0x3FB3];
	_ =	sdelay $0x3  }
0x36: {  	p1 =	seq.s32 s10, $0x1;
	s10 =	sld [smem:$0x3FB4];
	_ =	sdelay $0x3  }
0x37: {  	[smem:$0x3FB4] =	sst s10  }
0x38: {  	s10 =	sld [smem:$0x3FB5]  }
0x39: {  	_ = 	snop;
	(pc) =	sbr.ind lr, $3  }
0x3a: {  	_ = 	snop  }
0x3b: {  	_ = 	snop  }
0x3c: {  	p2 =	seq.s32 s10, $0x1;
	s10 =	sld [smem:$0x3FB4]  }
0x3d: {  	_ =	shalt  }
0x3e: {  	_ =	shalt  }
0x3f: {  	_ =	shalt  }
0x40: {  	_ =	shalt  }
0x41: {  	_ =	shalt  }
0x42: {  	_ =	shalt  }
0x43: {  	_ =	shalt  }
0x44: {  	_ =	shalt  }
0x45: {  	_ =	shalt  }
0x46: {  	_ =	shalt  }
0x47: {  	_ =	shalt  }
0x48: {  	_ =	shalt  }
0x49: {  	_ =	shalt  }
0x4a: {  	_ =	shalt  }
0x4b: {  	_ =	shalt  }
0x4c: {  	_ =	shalt  }
0x4d: {  	_ =	shalt  }
0x4e: {  	_ =	shalt  }
0x4f: {  	_ =	shalt  }
0x50: {  	_ =	shalt  }
0x51: {  	_ =	shalt  }
0x52: {  	_ =	shalt  }
0x53: {  	_ =	shalt  }
0x54: {  	_ =	shalt  }
0x55: {  	_ =	shalt  }
0x56: {  	_ =	shalt  }
0x57: {  	_ =	shalt  }
0x58: {  	_ =	shalt  }
0x59: {  	_ =	shalt  }
0x5a: {  	_ =	shalt  }
0x5b: {  	_ =	shalt  }
0x5c: {  	_ =	shalt  }
0x5d: {  	_ =	shalt  }
0x5e: {  	_ =	shalt  }
0x5f: {  	_ =	shalt  }
0x60: {  	_ =	shalt  }
0x61: {  	_ =	shalt  }
0x62: {  	_ =	shalt  }
0x63: {  	_ =	shalt  }
0x64: {  	_ =	shalt  }
0x65: {  	_ =	shalt  }
0x66: {  	_ =	shalt  }
0x67: {  	_ =	shalt  }
0x68: {  	_ =	shalt  }
0x69: {  	_ =	shalt  }
0x6a: {  	_ =	shalt  }
0x6b: {  	_ =	shalt  }
0x6c: {  	_ =	shalt  }
0x6d: {  	_ =	shalt  }
0x6e: {  	_ =	shalt  }
0x6f: {  	_ =	shalt  }
0x70: {  	_ =	shalt  }
0x71: {  	_ =	shalt  }
0x72: {  	_ =	shalt  }
0x73: {  	_ =	shalt  }
0x74: {  	_ =	shalt  }
0x75: {  	_ =	shalt  }
0x76: {  	_ =	shalt  }
0x77: {  	_ =	shalt  }
0x78: {  	_ =	shalt  }
0x79: {  	_ =	shalt  }
0x7a: {  	_ =	shalt  }
0x7b: {  	_ =	shalt  }
0x7c: {  	_ =	shalt  }
0x7d: {  	_ =	shalt  }
0x7e: {  	_ =	shalt  }
0x7f: {  	_ =	shalt  }
0x80: {  	_ =	shalt  }
0x81: {  	_ =	shalt  }
0x82: {  	_ =	shalt  }
0x83: {  	_ =	shalt  }
0x84: {  	_ =	shalt  }
0x85: {  	_ =	shalt  }
0x86: {  	_ =	shalt  }
0x87: {  	_ =	shalt  }
.Lfunc_end0:
.L_simem_size_0:
called_computation.1_lowered:
.L_overlay_start_0:
0x88: {  	s2 =	sld [smem:$0x3FD9]  }
0x89: {  	s3 =	sld [smem:$0x3FFE];
	_ =	sdelay $0x1  }
0x8a: {  	s1 =	srdreg.scid  }
0x8b: {  	s0 =	sand.u32 $0x1, s1  }
0x8c: {  	s16 =	sshll.u32 s0, $0xA;
	s2 =	sadd.s32 s3, s2  }
0x8d: {  	s2 =	sadd.s32 s2, s16  }
0x8e: {  	[smem:$0x3FC0] =	sst s2  }
0x8f: {  	_ = 	snop  }
0x90: {  	(tm) =	ssettm $0x1  }
0x91: {  	s17 =	sld [smem:$0x3FFB];
	_ =	sdelay $0x3  }
0x92: {  	_ =	strace s17  }
0x93: {  	s2 =	sld [smem:$0x3FFC];
	_ =	sdelay $0x3  }
0x94: {  	_ =	strace s2  }
0x95: {  	s2 =	sld [smem:$0x3FFD];
	_ =	sdelay $0x3  }
0x96: {  	_ =	strace s2  }
0x97: {  	_ =	strace $0x8FFFFFFF  }
0x98: {  	s18 =	sld [smem:$0x3FDB];
	_ =	sdelay $0x1  }
0x99: {  	s19 =	simm.s32 $_scs_section_size  }
0x9a: {  	s4 =	simm.s32 $_size__tile_overlayer_lowered;
	s5 =	simm.s32 $_tile_overlayer_lowered  }
0x9b: {  	s22 =	simm.s32 $0x1BFF;
	s21 =	sshll.u32 s5, $0x1;
	s2 =	sadd.s32 s19, s18  }
0x9c: {  	s6 =	simm.s32 $0x0;
	s20 =	sshll.u32 s4, $0x1;
	s4 =	sadd.s32 s21, s2  }
0x9d: {  	[timem:s6], [sflag:s22] =	dma.local [hbm:s4], s20  }
0x9e: {  	_ =	swait.ge [sflag:s22], s20  }
0x9f: {  	s3 =	ssub.s32 $0x0, s20;
	[sflag:s22] =	ssyncset.done $0x0  }
0xa0: {  	[sflag:s22] =	ssyncadd.s32 s3;
	_ =	sdelay $0x1  }
0xa1: {  	s23 =	simm.s32 $0x1B8B  }
0xa2: {  	_ =	swait.ge [sflag:s23], $0x1  }
0xa3: {  	[sflag:s23] =	ssyncset.done $0x0  }
0xa4: {  	s25 =	simm.s32 $0x1B8E;
	s24 =	sld [smem:$0x3FFE];
	[sflag:s23] =	ssyncadd.s32 $0xFFFFFFFF  }
0xa5: {  	s26 =	simm.s32 $execute0_lowered;
	[smem:$0x3FD2] =	sst s25  }
0xa6: {  	s4 =	sshll.u32 s26, $0x1;
	_ =	strace $0x80000049;
	[dreg:$0x1] =	wrdreg $0xFFFFFFFF  }
0xa7: {  	s28 =	simm.s32 $_size_execute0_lowered;
	s2 =	sadd.s32 s2, s4;
	[dreg:$0x0] =	wrdreg $0x0  }
0xa8: {  	s4 =	sshll.u32 s28, $0x1;
	[dreg:$0x2] =	wrdreg s2  }
0xa9: {  	[dreg:$0x3] =	wrdreg s4  }
0xaa: {  	[dreg:$0x4] =	wrdreg $0xC0  }
0xab: {  	_ =	task [dreg:s6], $0x5FFFF  }
0xac: {  	[dreg:$0x1] =	wrdreg $0xFFFFFFFF  }
0xad: {  	[dreg:$0x0] =	wrdreg $0x60  }
0xae: {  	[dreg:$0x2] =	wrdreg s24  }
0xaf: {  	[dreg:$0x3] =	wrdreg $0x90000  }
0xb0: {  	[dreg:$0x4] =	wrdreg $0x9  }
0xb1: {  	_ =	task.clear_ibuf [dreg:s6], $0x5FFFF;
	_ =	strace $0x90000049  }
0xb2: {  	s29 =	simm.s32 $0x9;
	_ =	strace $0x8000004B  }
0xb3: {  	_ =	swait.ge [sflag:s29], $0x1  }
0xb4: {  	[sflag:s29] =	ssyncadd.s32 $0xFFFFFFFF  }
0xb5: {  	_ =	strace $0x9000004B  }
0xb6: {  	_ =	sfence  }
0xb7: {  	s30 =	sld [smem:$0x0];
	_ =	sdelay $0x2  }
0xb8: {  	s31 =	sshll.u32 s1, $0xD;
	s1 =	sshrl.u32 s1, $0x2  }
0xb9: {  	s3 =	sand.u32 $0x4000, s31;
	s1 =	sadd.s32 s1, s30  }
0xba: {  	s0 =	sor.u32 s3, s0;
	s1 =	sshll.u32 s1, $0x11  }
0xbb: {  	s0 =	sor.u32 s1, s0  }
0xbc: {  	s0 =	sadd.s32 $0x8F2B, s0  }
0xbd: {  	[sflag:s0] =	ssyncadd.remote.s32 $0x1  }
0xbe: {  	_ =	sfence.sel $0xFFFF  }
0xbf: {  	[dreg:$0x0] =	wrdreg $0xFFFFFFFF;
	(pc) =	sbr.abs _section_cstart, $3  }
0xc0: {  	[dreg:$0x1] =	wrdreg $0xFFFFFFFF  }
0xc1: {  	_ =	task.clear_ibuf [dreg:s6], $0x2FFFF;
	_ =	strace $0x9FFFFFFF  }
0xc2: {  	(tm) =	ssettm $0x7FFFFFFF  }
0xc3: {  	_ =	shalt  }
tec
execute0_lowered:
.L_overlay_start_1:
0x0: {  	(tag) =	ssettag $0x1  }
0x1: {  	s5 =	rddreg [dreg:$0x0];
	s1 =	srdreg.scid  }
0x2: {  	s0 =	stileid.u32;
	s2 =	rddreg [dreg:$0x1]  }
0x3: {  	s3 =	simm.s32 $0x0;
	s14 =	simm.s32 $0x2;
	s15 =	simm.s32 $0x2800  }
0x4: {  	s16 =	simm.s32 $0x80;
	s17 =	simm.s32 $0x1;
	s6 =	sand.u32 $0x1, s1  }
0x5: {  	s4 =	sshll.u32 s0, $0x1;
	s1 =	rddreg [dreg:$0x2];
	s8 =	smul.u32 $0x50000, s0  }
0x6: {  	[smem:$0x7FF] =	sst s3;
	s19 =	smul.u32 $0x2800, s0;
	s20 =	sshll.u32 s0, $0x6  }
0x7: {  	s4 =	sor.u32 s6, s4;
	_ =	strace $0x8000004A;
	s9 =	smul.u32 $0x28000, s6  }
0x8: {  	s6 =	ssub.s32 $0x2, s6;
	s7 =	smul.u32 $0x500, s4;
	s4 =	sadd.s32 $0x68600, s5  }
0x9: {  	s31 =	sshrl.u32 s6, $0x1;
	s8 =	sshrl.u32 s8, $0x2;
	s12 =	sadd.s32 s9, s5  }
0xa: {  	s13 =	ssub.s32 s6, s31;
	s11 =	sadd.s32 s7, s5;
	s5 =	sadd.s32 s8, s2  }
0xb: {  	s18 =	sadd.s32 $0x90600, s12;
	s12 =	smax.u32 s13, $0x1;
	s13 =	simm.s32 $0x5000  }
0xc: {  	s6 =	sadd.s32 $0x4000, s5;
	s7 =	sadd.s32 $0x8000, s5;
	s8 =	sadd.s32 $0xC000, s5  }
0xd: {  	s9 =	sadd.s32 $0x10000, s5;
	s10 =	sadd.s32 $0xE600, s11;
	s11 =	sadd.s32 $0x3C00, s11  }
0xe: {  	v0 =	vimm.f32 $0.0e+00;
	s18 =	sadd.s32 s19, s18;
	s19 =	sor.u32 $0x1C02, s20;
	s20 =	sshrl.u32 s5, $0x3  }
.LBB2_1:
0xf: {  	s21 =	simm.s32 $0x0;
	s22 =	simm.s32 $0x200  }
.LBB2_2:
0x10: {  	p0 =	sne.s32 s22, $0xFE00;
	[tilespmem:s21+$0x5070] =	vst v0  }
0x11: {  	[tilespmem:s21+$0x5000] =	vst v0  }
0x12: {  	[tilespmem:s21+$0x5010] =	vst v0  }
.Ltmp0:
0x13: {  	[tilespmem:s21+$0x5020] =	vst v0;
	(pc) =	sbr.rel @p0 .LBB2_2-.Ltmp0, $4  }
0x14: {  	[tilespmem:s21+$0x5030] =	vst v0  }
0x15: {  	[tilespmem:s21+$0x5040] =	vst v0  }
0x16: {  	[tilespmem:s21+$0x5050] =	vst v0  }
0x17: {  	[tilespmem:s21+$0x5060] =	vst v0;
	s21 =	sshra.s32 s22, $0x2;
	s22 =	sadd.s32 $0x200, s22  }
0x18: {  	[tilespmem:s21+$0x5070] =	vst v0  }
0x19: {  	[tilespmem:s21+$0x5000] =	vst v0  }
0x1a: {  	[tilespmem:s21+$0x5010] =	vst v0  }
0x1b: {  	[tilespmem:s21+$0x5020] =	vst v0  }
0x1c: {  	[tilespmem:s21+$0x5030] =	vst v0  }
0x1d: {  	[tilespmem:s21+$0x5040] =	vst v0  }
0x1e: {  	[tilespmem:s21+$0x5050] =	vst v0  }
0x1f: {  	[tilespmem:s21+$0x5060] =	vst v0  }
0x20: {  	[spmem:s5] =	stream.linear.scatter [tilespmem:s13], [sflag:$0x2], $0x4000, $0x38;
	[tilespmem:$0x1D000] =	vst v63  }
0x21: {  	_ =	swait.ge [sflag:s14], $0x4000  }
0x22: {  	[sflag:s14] =	ssyncset.done $0x0  }
0x23: {  	[sflag:s14] =	ssyncadd.s32 $0xFFFFC000  }
0x24: {  	[spmem:s6] =	stream.linear.scatter [tilespmem:s13], [sflag:$0x2], $0x4000, $0x38;
	[tilespmem:$0x1D000] =	vst v63  }
0x25: {  	_ =	swait.ge [sflag:s14], $0x4000  }
0x26: {  	[sflag:s14] =	ssyncset.done $0x0  }
0x27: {  	[sflag:s14] =	ssyncadd.s32 $0xFFFFC000  }
0x28: {  	[spmem:s7] =	stream.linear.scatter [tilespmem:s13], [sflag:$0x2], $0x4000, $0x38;
	[tilespmem:$0x1D000] =	vst v63  }
0x29: {  	_ =	swait.ge [sflag:s14], $0x4000  }
0x2a: {  	[sflag:s14] =	ssyncset.done $0x0  }
0x2b: {  	[sflag:s14] =	ssyncadd.s32 $0xFFFFC000  }
0x2c: {  	[spmem:s8] =	stream.linear.scatter [tilespmem:s13], [sflag:$0x2], $0x4000, $0x38;
	[tilespmem:$0x1D000] =	vst v63  }
0x2d: {  	_ =	swait.ge [sflag:s14], $0x4000  }
0x2e: {  	[sflag:s14] =	ssyncset.done $0x0  }
0x2f: {  	[sflag:s14] =	ssyncadd.s32 $0xFFFFC000  }
0x30: {  	[spmem:s9] =	stream.linear.scatter [tilespmem:s13], [sflag:$0x2], $0x4000, $0x38;
	[tilespmem:$0x1D000] =	vst v63  }
0x31: {  	_ =	swait.ge [sflag:s14], $0x4000  }
0x32: {  	[sflag:s14] =	ssyncset.done $0x0  }
0x33: {  	[sflag:s14] =	ssyncadd.s32 $0xFFFFC000  }
0x34: {  	s29 =	simm.s32 $0x0;
	[bflag:$0x0] =	sbarrier.arrive $0xFFFF  }
0x35: {  	[tilespmem:s29], [sflag:$0x2] =	stream.linear.gather [hbm4b:s10+s29], $0x2800, $0x38;
	[tilespmem:$0x1D000] =	vst v63  }
0x36: {  	_ =	swait.ge [sflag:s14], $0x2800  }
0x37: {  	[sflag:s14] =	ssyncset.done $0x0  }
0x38: {  	[sflag:s14] =	ssyncadd.s32 $0xFFFFD800  }
0x39: {  	[tilespmem:s15], [sflag:$0x2] =	stream.linear.gather [hbm4b:s11+s29], $0x2800, $0x38;
	[tilespmem:$0x1D000] =	vst v63  }
0x3a: {  	_ =	swait.ge [sflag:s14], $0x2800  }
0x3b: {  	[sflag:s14] =	ssyncset.done $0x0  }
0x3c: {  	s30 =	simm.s32 $0x0;
	[sflag:s14] =	ssyncadd.s32 $0xFFFFD800  }
0x3d: {  	[tilespmem:s13], [sflag:$0x1] =	stream.indirect.gather [hbm4b:s4+s16], $0x80, s30, s16, $0xb8;
	[tilespmem:$0x1D000] =	vst v63  }
0x3e: {  	_ =	swait.ge [sflag:s17], $0x4000  }
0x3f: {  	[sflag:s17] =	ssyncset.done $0x0  }
0x40: {  	s31 =	simm.s32 $0x2800;
	[sflag:s17] =	ssyncadd.s32 $0xFFFFC000  }
0x41: {  	[spmem:s2] =	stream.indirect.scatter.add.f32 [tilespmem:s13], [sflag:$0x2], $0x80, s31, s16, $0xb8;
	[tilespmem:$0x1D000] =	vst v63  }
0x42: {  	_ =	swait.ge [sflag:s14], $0x4000  }
0x43: {  	s21 =	simm.s32 $0x200;
	s22 =	simm.s32 $0x400;
	[sflag:s14] =	ssyncset.done $0x0  }
.LBB2_4:
0x44: {  	s23 =	sshra.s32 s21, $0x2  }
0x45: {  	[sflag:s14] =	ssyncadd.s32 $0xFFFFC000;
	s21 =	smov.u32 s22;
	s24 =	sadd.s32 $0x200, s22  }
0x46: {  	[tilespmem:s13], [sflag:$0x1] =	stream.indirect.gather [hbm4b:s4+s16], $0x80, s23, s16, $0xb8;
	[tilespmem:$0x1D000] =	vst v63  }
0x47: {  	p0 =	sne.s32 s22, $0x9E00;
	_ =	swait.ge [sflag:s17], $0x4000  }
.Ltmp1:
0x48: {  	[sflag:s17] =	ssyncset.done $0x0;
	(pc) =	sbr.rel @p0 .LBB2_4-.Ltmp1, $4  }
0x49: {  	s22 =	sadd.s32 $0x2800, s23;
	[sflag:s17] =	ssyncadd.s32 $0xFFFFC000  }
0x4a: {  	[spmem:s2] =	stream.indirect.scatter.add.f32 [tilespmem:s13], [sflag:$0x2], $0x80, s22, s16, $0xb8;
	[tilespmem:$0x1D000] =	vst v63  }
0x4b: {  	_ =	swait.ge [sflag:s14], $0x4000  }
0x4c: {  	s22 =	smov.u32 s24;
	[sflag:s14] =	ssyncset.done $0x0  }
0x4d: {  	s21 =	sshra.s32 s21, $0x2;
	[sflag:s14] =	ssyncadd.s32 $0xFFFFC000  }
0x4e: {  	[tilespmem:s13], [sflag:$0x1] =	stream.indirect.gather [hbm4b:s4+s16], $0x80, s21, s16, $0xb8;
	[tilespmem:$0x1D000] =	vst v63  }
0x4f: {  	_ =	swait.ge [sflag:s17], $0x4000  }
0x50: {  	[sflag:s17] =	ssyncset.done $0x0  }
0x51: {  	s21 =	sadd.s32 $0x2800, s21;
	[sflag:s17] =	ssyncadd.s32 $0xFFFFC000  }
0x52: {  	[spmem:s2] =	stream.indirect.scatter.add.f32 [tilespmem:s13], [sflag:$0x2], $0x80, s21, s16, $0xb8;
	[tilespmem:$0x1D000] =	vst v63  }
0x53: {  	_ =	swait.ge [sflag:s14], $0x4000  }
0x54: {  	s3 =	sadd.s32 $0x1, s3;
	[sflag:s14] =	ssyncset.done $0x0  }
0x55: {  	p0 =	sne.s32 s3, s12;
	[sflag:s14] =	ssyncadd.s32 $0xFFFFC000  }
.Ltmp2:
0x56: {  	[bflag:$0x0] =	sbarrier.arrive $0xFFFF;
	(pc) =	sbr.rel @p0 .LBB2_1-.Ltmp2, $4  }
0x57: {  	[hbm:s18], [sflag:s19] =	dma.local [spmem:s20], $0x2800  }
0x58: {  	_ =	swait.ge [sflag:s14], $0x2800  }
0x59: {  	[sflag:s14] =	ssyncset.done $0x0  }
0x5a: {  	[sflag:s14] =	ssyncadd.s32 $0xFFFFD800  }
0x5b: {  	_ =	sfence.sel $0x180000  }
0x5c: {  	[bflag:$0x0] =	sbarrier.arrive $0xFFFF  }
0x5d: {  	p0 =	sne.s32 s0, $0x0;
	_ =	strace $0x9000004A  }
0x5e: {  	s0 =	sadd.s32 @!p0 $0x100000, s1;
	[bflag:$0x2] =	sbarrier.arrive $0xFFFF  }
0x5f: {  	[sflag:s0] =	ssyncadd.tile.s32 @!p0 $0x1;
	_ =	shalt  }
.Lfunc_end2:
_tile_overlayer_lowered:
.L_overlay_start_2:
0x60: {  	(tag) =	ssettag $0x2  }
0x61: {  	s0 =	rddreg [dreg:$0x0];
	s2 =	stileid.u32  }
0x62: {  	s1 =	rddreg [dreg:$0x1];
	p0 =	sne.s32 s2, $0x0  }
0x63: {  	s3 =	rddreg [dreg:$0x2];
	[bflag:$0x3] =	sbarrier.arrive $0xFFFF;
	s2 =	simm.s32 @!p0 $0x1C02  }
0x64: {  	[timem:s3], [sflag:s2] =	dma.local @!p0 [hbm:s0], s1  }
0x65: {  	s0 =	simm.s32 @!p0 $0x2  }
0x66: {  	_ =	swait.ge @!p0 [sflag:s0], s1  }
0x67: {  	s1 =	ssub.s32 @!p0 $0x0, s1;
	[sflag:s0] =	ssyncset.done @!p0 $0x0  }
0x68: {  	[sflag:s0] =	ssyncadd.s32 @!p0 s1  }
0x69: {  	[bflag:$0x3] =	sbarrier.arrive $0xFFFF  }
0x6a: {  	_ =	shalt  }

// kernel: kernel.14.cloned.1.call-start
scs
__scs_entry_jumppad:
0x0: {  	(pc) =	sbr.rel $0x88, $3  }
0x1: {  	(tag) =	ssettag $0x0;
	lr =	simm.s32 $0x1  }
0x2: {  	[smem:$0x3F99] =	sst lr;
	_ =	strace $0xD0000000  }
0x3: {  	_ = 	snop  }
0x4: {  	_ = 	snop  }
0x5: {  	_ = 	snop  }
0x6: {  	_ = 	snop  }
0x7: {  	_ = 	snop  }
__scs_overlays_trampoline_lowered:
0x8: {  	[smem:$0x3FA8] =	sst s0  }
0x9: {  	[smem:$0x3FA9] =	sst s1  }
0xa: {  	[smem:$0x3FAA] =	sst s2  }
0xb: {  	[smem:$0x3FAB] =	sst s3  }
0xc: {  	[smem:$0x3FAC] =	sst s4  }
0xd: {  	[smem:$0x3FAD] =	sst s5  }
0xe: {  	[smem:$0x3FAE] =	sst s6  }
0xf: {  	[smem:$0x3FAF] =	sst s7  }
0x10: {  	[smem:$0x3FB0] =	sst s8  }
0x11: {  	[smem:$0x3FB1] =	sst s9;
	s0 =	simm.s32 @!p0 $0x0  }
0x12: {  	s1 =	sld [smem:$0x3F97];
	s0 =	simm.s32 @p0 $0x1  }
0x13: {  	[smem:$0x3FB2] =	sst s0;
	s0 =	simm.s32 @!p1 $0x0  }
0x14: {  	s2 =	sld [smem:$0x3F96];
	s0 =	simm.s32 @p1 $0x1  }
0x15: {  	[smem:$0x3FB3] =	sst s0;
	s0 =	simm.s32 @!p2 $0x0  }
0x16: {  	s3 =	sld [smem:$0x3FDB];
	s0 =	simm.s32 @p2 $0x1  }
0x17: {  	s4 =	simm.s32 $0x1BF5;
	[smem:$0x3FB5] =	sst s0  }
0x18: {  	s0 =	sld [smem:$0x3F98];
	_ =	swait.ge [sflag:s4], $0x0  }
0x19: {  	s7 =	sld [smem:$0x3F99]  }
0x1a: {  	s8 =	sadd.s32 $0xFFFFE003, lr  }
0x1b: {  	s9 =	sadd.s32 $0xFFFFFEF7, lr;
	s5 =	simm.s32 $0xFFFFFFFF;
	p2 =	slt.u32 s8, $0xFFFFF086  }
0x1c: {  	p1 =	slt.u32 s9, $0xF7A;
	s5 =	simm.s32 @!p2 $0x0  }
0x1d: {  	s5 =	simm.s32 @p1 $0x1;
	p0 =	seq.s32 s7, s2  }
0x1e: {  	s7 =	smul.u32 @!p0 $0xF7A, s2;
	p2 =	seq.s32 @!p0 s5, $0x0  }
0x1f: {  	s9 =	smul.u32 $0xF7A, s1;
	s8 =	simm.s32 @!p0 $0x1BF5;
	p2 =	por !p2, p0  }
0x20: {  	[sflag:s8] =	ssyncset.s32 @!p0 $0xFFFFF086;
	s6 =	sadd.s32 @!p0 s3, s7;
	s7 =	simm.s32 @!p0 $0x108  }
0x21: {  	s3 =	sadd.s32 s3, s9;
	s6 =	sadd.s32 @!p0 $0x88, s6;
	s7 =	simm.s32 @p2 $0x1082  }
0x22: {  	[simem:s7], [sflag:s8] =	dma.local @!p0 [hbm:s6], $0xF7A  }
0x23: {  	s9 =	sor.u32 $0xD0000000, s2;
	s6 =	simm.s32 $0x108;
	_ =	swait.ge @!p0 [sflag:s8], $0x0  }
0x24: {  	s3 =	sadd.s32 $0x88, s3;
	s6 =	simm.s32 @!p1 $0x1082;
	[sflag:s4] =	ssyncset.s32 $0xFFFFF086  }
0x25: {  	[simem:s6], [sflag:s4] =	dma.local [hbm:s3], $0xF7A  }
0x26: {  	[smem:$0x3F99] =	sst s1;
	(tag) =	ssettag s2;
	_ =	strace s9  }
0x27: {  	s1 =	sld [smem:$0x3FA9]  }
0x28: {  	s2 =	sld [smem:$0x3FAA]  }
0x29: {  	s4 =	sld [smem:$0x3FAC]  }
0x2a: {  	p0 =	seq.s32 s5, $0x0;
	s5 =	sld [smem:$0x3FAD]  }
0x2b: {  	s6 =	sld [smem:$0x3FAE]  }
0x2c: {  	s7 =	sld [smem:$0x3FAF]  }
0x2d: {  	s3 =	simm.s32 $0x108;
	s8 =	sld [smem:$0x3FB0]  }
0x2e: {  	s3 =	simm.s32 @!p0 $0x1082;
	s9 =	sld [smem:$0x3FB1]  }
0x2f: {  	lr =	sadd.s32 s0, s3;
	s0 =	sld [smem:$0x3FA8]  }
0x30: {  	s3 =	sld [smem:$0x3FAB]  }
0x31: {  	[smem:$0x3FB4] =	sst s10  }
0x32: {  	s10 =	sld [smem:$0x3FB2];
	_ =	sdelay $0x3  }
0x33: {  	p0 =	seq.s32 s10, $0x1;
	s10 =	sld [smem:$0x3FB4];
	_ =	sdelay $0x3  }
0x34: {  	[smem:$0x3FB4] =	sst s10  }
0x35: {  	s10 =	sld [smem:$0x3FB3];
	_ =	sdelay $0x3  }
0x36: {  	p1 =	seq.s32 s10, $0x1;
	s10 =	sld [smem:$0x3FB4];
	_ =	sdelay $0x3  }
0x37: {  	[smem:$0x3FB4] =	sst s10  }
0x38: {  	s10 =	sld [smem:$0x3FB5]  }
0x39: {  	_ = 	snop;
	(pc) =	sbr.ind lr, $3  }
0x3a: {  	_ = 	snop  }
0x3b: {  	_ = 	snop  }
0x3c: {  	p2 =	seq.s32 s10, $0x1;
	s10 =	sld [smem:$0x3FB4]  }
0x3d: {  	_ =	shalt  }
0x3e: {  	_ =	shalt  }
0x3f: {  	_ =	shalt  }
0x40: {  	_ =	shalt  }
0x41: {  	_ =	shalt  }
0x42: {  	_ =	shalt  }
0x43: {  	_ =	shalt  }
0x44: {  	_ =	shalt  }
0x45: {  	_ =	shalt  }
0x46: {  	_ =	shalt  }
0x47: {  	_ =	shalt  }
0x48: {  	_ =	shalt  }
0x49: {  	_ =	shalt  }
0x4a: {  	_ =	shalt  }
0x4b: {  	_ =	shalt  }
0x4c: {  	_ =	shalt  }
0x4d: {  	_ =	shalt  }
0x4e: {  	_ =	shalt  }
0x4f: {  	_ =	shalt  }
0x50: {  	_ =	shalt  }
0x51: {  	_ =	shalt  }
0x52: {  	_ =	shalt  }
0x53: {  	_ =	shalt  }
0x54: {  	_ =	shalt  }
0x55: {  	_ =	shalt  }
0x56: {  	_ =	shalt  }
0x57: {  	_ =	shalt  }
0x58: {  	_ =	shalt  }
0x59: {  	_ =	shalt  }
0x5a: {  	_ =	shalt  }
0x5b: {  	_ =	shalt  }
0x5c: {  	_ =	shalt  }
0x5d: {  	_ =	shalt  }
0x5e: {  	_ =	shalt  }
0x5f: {  	_ =	shalt  }
0x60: {  	_ =	shalt  }
0x61: {  	_ =	shalt  }
0x62: {  	_ =	shalt  }
0x63: {  	_ =	shalt  }
0x64: {  	_ =	shalt  }
0x65: {  	_ =	shalt  }
0x66: {  	_ =	shalt  }
0x67: {  	_ =	shalt  }
0x68: {  	_ =	shalt  }
0x69: {  	_ =	shalt  }
0x6a: {  	_ =	shalt  }
0x6b: {  	_ =	shalt  }
0x6c: {  	_ =	shalt  }
0x6d: {  	_ =	shalt  }
0x6e: {  	_ =	shalt  }
0x6f: {  	_ =	shalt  }
0x70: {  	_ =	shalt  }
0x71: {  	_ =	shalt  }
0x72: {  	_ =	shalt  }
0x73: {  	_ =	shalt  }
0x74: {  	_ =	shalt  }
0x75: {  	_ =	shalt  }
0x76: {  	_ =	shalt  }
0x77: {  	_ =	shalt  }
0x78: {  	_ =	shalt  }
0x79: {  	_ =	shalt  }
0x7a: {  	_ =	shalt  }
0x7b: {  	_ =	shalt  }
0x7c: {  	_ =	shalt  }
0x7d: {  	_ =	shalt  }
0x7e: {  	_ =	shalt  }
0x7f: {  	_ =	shalt  }
0x80: {  	_ =	shalt  }
0x81: {  	_ =	shalt  }
0x82: {  	_ =	shalt  }
0x83: {  	_ =	shalt  }
0x84: {  	_ =	shalt  }
0x85: {  	_ =	shalt  }
0x86: {  	_ =	shalt  }
0x87: {  	_ =	shalt  }
.Lfunc_end0:
.L_simem_size_0:
called_computation.2_lowered:
.L_overlay_start_0:
0x88: {  	s2 =	sld [smem:$0x3FD9]  }
0x89: {  	s3 =	sld [smem:$0x3FFE];
	_ =	sdelay $0x1  }
0x8a: {  	s1 =	srdreg.scid  }
0x8b: {  	s0 =	sand.u32 $0x1, s1  }
0x8c: {  	s16 =	sshll.u32 s0, $0xA;
	s2 =	sadd.s32 s3, s2  }
0x8d: {  	s2 =	sadd.s32 s2, s16  }
0x8e: {  	[smem:$0x3FC0] =	sst s2  }
0x8f: {  	_ = 	snop  }
0x90: {  	(tm) =	ssettm $0x1  }
0x91: {  	s17 =	sld [smem:$0x3FFB];
	_ =	sdelay $0x3  }
0x92: {  	_ =	strace s17  }
0x93: {  	s2 =	sld [smem:$0x3FFC];
	_ =	sdelay $0x3  }
0x94: {  	_ =	strace s2  }
0x95: {  	s2 =	sld [smem:$0x3FFD];
	_ =	sdelay $0x3  }
0x96: {  	_ =	strace s2  }
0x97: {  	_ =	strace $0x8FFFFFFF  }
0x98: {  	s18 =	sld [smem:$0x3FDB];
	_ =	sdelay $0x1  }
0x99: {  	s19 =	simm.s32 $_scs_section_size  }
0x9a: {  	s4 =	simm.s32 $_size__tile_overlayer_lowered;
	s5 =	simm.s32 $_tile_overlayer_lowered  }
0x9b: {  	s22 =	simm.s32 $0x1BFF;
	s21 =	sshll.u32 s5, $0x1;
	s2 =	sadd.s32 s19, s18  }
0x9c: {  	s6 =	simm.s32 $0x0;
	s20 =	sshll.u32 s4, $0x1;
	s4 =	sadd.s32 s21, s2  }
0x9d: {  	[timem:s6], [sflag:s22] =	dma.local [hbm:s4], s20  }
0x9e: {  	_ =	swait.ge [sflag:s22], s20  }
0x9f: {  	s3 =	ssub.s32 $0x0, s20;
	[sflag:s22] =	ssyncset.done $0x0  }
0xa0: {  	[sflag:s22] =	ssyncadd.s32 s3;
	_ =	sdelay $0x1  }
0xa1: {  	s23 =	simm.s32 $0x1B8B  }
0xa2: {  	_ =	swait.ge [sflag:s23], $0x1  }
0xa3: {  	[sflag:s23] =	ssyncset.done $0x0  }
0xa4: {  	s25 =	simm.s32 $0x1B8E;
	s24 =	sld [smem:$0x3FFE];
	[sflag:s23] =	ssyncadd.s32 $0xFFFFFFFF  }
0xa5: {  	s26 =	simm.s32 $execute0_lowered;
	[smem:$0x3FD2] =	sst s25  }
0xa6: {  	s4 =	sshll.u32 s26, $0x1;
	_ =	strace $0x8000004C;
	[dreg:$0x1] =	wrdreg $0xFFFFFFFF  }
0xa7: {  	s28 =	simm.s32 $_size_execute0_lowered;
	s2 =	sadd.s32 s2, s4;
	[dreg:$0x0] =	wrdreg $0x0  }
0xa8: {  	s4 =	sshll.u32 s28, $0x1;
	[dreg:$0x2] =	wrdreg s2  }
0xa9: {  	[dreg:$0x3] =	wrdreg s4  }
0xaa: {  	[dreg:$0x4] =	wrdreg $0xC0  }
0xab: {  	_ =	task [dreg:s6], $0x5FFFF  }
0xac: {  	[dreg:$0x1] =	wrdreg $0xFFFFFFFF  }
0xad: {  	[dreg:$0x0] =	wrdreg $0x60  }
0xae: {  	[dreg:$0x2] =	wrdreg s24  }
0xaf: {  	[dreg:$0x3] =	wrdreg $0x90000  }
0xb0: {  	[dreg:$0x4] =	wrdreg $0x9  }
0xb1: {  	_ =	task.clear_ibuf [dreg:s6], $0x5FFFF;
	_ =	strace $0x9000004C  }
0xb2: {  	s29 =	simm.s32 $0x9;
	_ =	strace $0x8000004E  }
0xb3: {  	_ =	swait.ge [sflag:s29], $0x1  }
0xb4: {  	[sflag:s29] =	ssyncadd.s32 $0xFFFFFFFF  }
0xb5: {  	_ =	strace $0x9000004E  }
0xb6: {  	_ =	sfence  }
0xb7: {  	s30 =	sld [smem:$0x0];
	_ =	sdelay $0x2  }
0xb8: {  	s31 =	sshll.u32 s1, $0xD;
	s1 =	sshrl.u32 s1, $0x2  }
0xb9: {  	s3 =	sand.u32 $0x4000, s31;
	s1 =	sadd.s32 s1, s30  }
0xba: {  	s0 =	sor.u32 s3, s0;
	s1 =	sshll.u32 s1, $0x11  }
0xbb: {  	s0 =	sor.u32 s1, s0  }
0xbc: {  	s0 =	sadd.s32 $0x8F2B, s0  }
0xbd: {  	[sflag:s0] =	ssyncadd.remote.s32 $0x1  }
0xbe: {  	_ =	sfence.sel $0xFFFF  }
0xbf: {  	[dreg:$0x0] =	wrdreg $0xFFFFFFFF;
	(pc) =	sbr.abs _section_cstart, $3  }
0xc0: {  	[dreg:$0x1] =	wrdreg $0xFFFFFFFF  }
0xc1: {  	_ =	task.clear_ibuf [dreg:s6], $0x2FFFF;
	_ =	strace $0x9FFFFFFF  }
0xc2: {  	(tm) =	ssettm $0x7FFFFFFF  }
0xc3: {  	_ =	shalt  }
tec
execute0_lowered:
.L_overlay_start_1:
0x0: {  	(tag) =	ssettag $0x1  }
0x1: {  	s5 =	rddreg [dreg:$0x0];
	s1 =	srdreg.scid  }
0x2: {  	s0 =	stileid.u32;
	s2 =	rddreg [dreg:$0x1]  }
0x3: {  	s3 =	simm.s32 $0x0;
	s14 =	simm.s32 $0x2;
	s15 =	simm.s32 $0x2800  }
0x4: {  	s16 =	simm.s32 $0x80;
	s17 =	simm.s32 $0x1;
	s6 =	sand.u32 $0x1, s1  }
0x5: {  	s4 =	sshll.u32 s0, $0x1;
	s1 =	rddreg [dreg:$0x2];
	s8 =	smul.u32 $0x50000, s0  }
0x6: {  	[smem:$0x7FF] =	sst s3;
	s19 =	smul.u32 $0x2800, s0;
	s20 =	sshll.u32 s0, $0x6  }
0x7: {  	s4 =	sor.u32 s6, s4;
	_ =	strace $0x8000004D;
	s9 =	smul.u32 $0x28000, s6  }
0x8: {  	s6 =	ssub.s32 $0x2, s6;
	s7 =	smul.u32 $0x500, s4;
	s4 =	sadd.s32 $0x68600, s5  }
0x9: {  	s31 =	sshrl.u32 s6, $0x1;
	s8 =	sshrl.u32 s8, $0x2;
	s12 =	sadd.s32 s9, s5  }
0xa: {  	s13 =	ssub.s32 s6, s31;
	s11 =	sadd.s32 s7, s5;
	s5 =	sadd.s32 s8, s2  }
0xb: {  	s18 =	sadd.s32 $0x90600, s12;
	s12 =	smax.u32 s13, $0x1;
	s13 =	simm.s32 $0x5000  }
0xc: {  	s6 =	sadd.s32 $0x4000, s5;
	s7 =	sadd.s32 $0x8000, s5;
	s8 =	sadd.s32 $0xC000, s5  }
0xd: {  	s9 =	sadd.s32 $0x10000, s5;
	s10 =	sadd.s32 $0xE600, s11;
	s11 =	sadd.s32 $0x3C00, s11  }
0xe: {  	v0 =	vimm.f32 $0.0e+00;
	s18 =	sadd.s32 s19, s18;
	s19 =	sor.u32 $0x1C02, s20;
	s20 =	sshrl.u32 s5, $0x3  }
.LBB2_1:
0xf: {  	s21 =	simm.s32 $0x0;
	s22 =	simm.s32 $0x200  }
.LBB2_2:
0x10: {  	p0 =	sne.s32 s22, $0xFE00;
	[tilespmem:s21+$0x5070] =	vst v0  }
0x11: {  	[tilespmem:s21+$0x5000] =	vst v0  }
0x12: {  	[tilespmem:s21+$0x5010] =	vst v0  }
.Ltmp0:
0x13: {  	[tilespmem:s21+$0x5020] =	vst v0;
	(pc) =	sbr.rel @p0 .LBB2_2-.Ltmp0, $4  }
0x14: {  	[tilespmem:s21+$0x5030] =	vst v0  }
0x15: {  	[tilespmem:s21+$0x5040] =	vst v0  }
0x16: {  	[tilespmem:s21+$0x5050] =	vst v0  }
0x17: {  	[tilespmem:s21+$0x5060] =	vst v0;
	s21 =	sshra.s32 s22, $0x2;
	s22 =	sadd.s32 $0x200, s22  }
0x18: {  	[tilespmem:s21+$0x5070] =	vst v0  }
0x19: {  	[tilespmem:s21+$0x5000] =	vst v0  }
0x1a: {  	[tilespmem:s21+$0x5010] =	vst v0  }
0x1b: {  	[tilespmem:s21+$0x5020] =	vst v0  }
0x1c: {  	[tilespmem:s21+$0x5030] =	vst v0  }
0x1d: {  	[tilespmem:s21+$0x5040] =	vst v0  }
0x1e: {  	[tilespmem:s21+$0x5050] =	vst v0  }
0x1f: {  	[tilespmem:s21+$0x5060] =	vst v0  }
0x20: {  	[spmem:s5] =	stream.linear.scatter [tilespmem:s13], [sflag:$0x2], $0x4000, $0x38;
	[tilespmem:$0x1D000] =	vst v63  }
0x21: {  	_ =	swait.ge [sflag:s14], $0x4000  }
0x22: {  	[sflag:s14] =	ssyncset.done $0x0  }
0x23: {  	[sflag:s14] =	ssyncadd.s32 $0xFFFFC000  }
0x24: {  	[spmem:s6] =	stream.linear.scatter [tilespmem:s13], [sflag:$0x2], $0x4000, $0x38;
	[tilespmem:$0x1D000] =	vst v63  }
0x25: {  	_ =	swait.ge [sflag:s14], $0x4000  }
0x26: {  	[sflag:s14] =	ssyncset.done $0x0  }
0x27: {  	[sflag:s14] =	ssyncadd.s32 $0xFFFFC000  }
0x28: {  	[spmem:s7] =	stream.linear.scatter [tilespmem:s13], [sflag:$0x2], $0x4000, $0x38;
	[tilespmem:$0x1D000] =	vst v63  }
0x29: {  	_ =	swait.ge [sflag:s14], $0x4000  }
0x2a: {  	[sflag:s14] =	ssyncset.done $0x0  }
0x2b: {  	[sflag:s14] =	ssyncadd.s32 $0xFFFFC000  }
0x2c: {  	[spmem:s8] =	stream.linear.scatter [tilespmem:s13], [sflag:$0x2], $0x4000, $0x38;
	[tilespmem:$0x1D000] =	vst v63  }
0x2d: {  	_ =	swait.ge [sflag:s14], $0x4000  }
0x2e: {  	[sflag:s14] =	ssyncset.done $0x0  }
0x2f: {  	[sflag:s14] =	ssyncadd.s32 $0xFFFFC000  }
0x30: {  	[spmem:s9] =	stream.linear.scatter [tilespmem:s13], [sflag:$0x2], $0x4000, $0x38;
	[tilespmem:$0x1D000] =	vst v63  }
0x31: {  	_ =	swait.ge [sflag:s14], $0x4000  }
0x32: {  	[sflag:s14] =	ssyncset.done $0x0  }
0x33: {  	[sflag:s14] =	ssyncadd.s32 $0xFFFFC000  }
0x34: {  	s29 =	simm.s32 $0x0;
	[bflag:$0x0] =	sbarrier.arrive $0xFFFF  }
0x35: {  	[tilespmem:s29], [sflag:$0x2] =	stream.linear.gather [hbm4b:s10+s29], $0x2800, $0x38;
	[tilespmem:$0x1D000] =	vst v63  }
0x36: {  	_ =	swait.ge [sflag:s14], $0x2800  }
0x37: {  	[sflag:s14] =	ssyncset.done $0x0  }
0x38: {  	[sflag:s14] =	ssyncadd.s32 $0xFFFFD800  }
0x39: {  	[tilespmem:s15], [sflag:$0x2] =	stream.linear.gather [hbm4b:s11+s29], $0x2800, $0x38;
	[tilespmem:$0x1D000] =	vst v63  }
0x3a: {  	_ =	swait.ge [sflag:s14], $0x2800  }
0x3b: {  	[sflag:s14] =	ssyncset.done $0x0  }
0x3c: {  	s30 =	simm.s32 $0x0;
	[sflag:s14] =	ssyncadd.s32 $0xFFFFD800  }
0x3d: {  	[tilespmem:s13], [sflag:$0x1] =	stream.indirect.gather [hbm4b:s4+s16], $0x80, s30, s16, $0xb8;
	[tilespmem:$0x1D000] =	vst v63  }
0x3e: {  	_ =	swait.ge [sflag:s17], $0x4000  }
0x3f: {  	[sflag:s17] =	ssyncset.done $0x0  }
0x40: {  	s31 =	simm.s32 $0x2800;
	[sflag:s17] =	ssyncadd.s32 $0xFFFFC000  }
0x41: {  	[spmem:s2] =	stream.indirect.scatter.add.f32 [tilespmem:s13], [sflag:$0x2], $0x80, s31, s16, $0xb8;
	[tilespmem:$0x1D000] =	vst v63  }
0x42: {  	_ =	swait.ge [sflag:s14], $0x4000  }
0x43: {  	s21 =	simm.s32 $0x200;
	s22 =	simm.s32 $0x400;
	[sflag:s14] =	ssyncset.done $0x0  }
.LBB2_4:
0x44: {  	s23 =	sshra.s32 s21, $0x2  }
0x45: {  	[sflag:s14] =	ssyncadd.s32 $0xFFFFC000;
	s21 =	smov.u32 s22;
	s24 =	sadd.s32 $0x200, s22  }
0x46: {  	[tilespmem:s13], [sflag:$0x1] =	stream.indirect.gather [hbm4b:s4+s16], $0x80, s23, s16, $0xb8;
	[tilespmem:$0x1D000] =	vst v63  }
0x47: {  	p0 =	sne.s32 s22, $0x9E00;
	_ =	swait.ge [sflag:s17], $0x4000  }
.Ltmp1:
0x48: {  	[sflag:s17] =	ssyncset.done $0x0;
	(pc) =	sbr.rel @p0 .LBB2_4-.Ltmp1, $4  }
0x49: {  	s22 =	sadd.s32 $0x2800, s23;
	[sflag:s17] =	ssyncadd.s32 $0xFFFFC000  }
0x4a: {  	[spmem:s2] =	stream.indirect.scatter.add.f32 [tilespmem:s13], [sflag:$0x2], $0x80, s22, s16, $0xb8;
	[tilespmem:$0x1D000] =	vst v63  }
0x4b: {  	_ =	swait.ge [sflag:s14], $0x4000  }
0x4c: {  	s22 =	smov.u32 s24;
	[sflag:s14] =	ssyncset.done $0x0  }
0x4d: {  	s21 =	sshra.s32 s21, $0x2;
	[sflag:s14] =	ssyncadd.s32 $0xFFFFC000  }
0x4e: {  	[tilespmem:s13], [sflag:$0x1] =	stream.indirect.gather [hbm4b:s4+s16], $0x80, s21, s16, $0xb8;
	[tilespmem:$0x1D000] =	vst v63  }
0x4f: {  	_ =	swait.ge [sflag:s17], $0x4000  }
0x50: {  	[sflag:s17] =	ssyncset.done $0x0  }
0x51: {  	s21 =	sadd.s32 $0x2800, s21;
	[sflag:s17] =	ssyncadd.s32 $0xFFFFC000  }
0x52: {  	[spmem:s2] =	stream.indirect.scatter.add.f32 [tilespmem:s13], [sflag:$0x2], $0x80, s21, s16, $0xb8;
	[tilespmem:$0x1D000] =	vst v63  }
0x53: {  	_ =	swait.ge [sflag:s14], $0x4000  }
0x54: {  	s3 =	sadd.s32 $0x1, s3;
	[sflag:s14] =	ssyncset.done $0x0  }
0x55: {  	p0 =	sne.s32 s3, s12;
	[sflag:s14] =	ssyncadd.s32 $0xFFFFC000  }
.Ltmp2:
0x56: {  	[bflag:$0x0] =	sbarrier.arrive $0xFFFF;
	(pc) =	sbr.rel @p0 .LBB2_1-.Ltmp2, $4  }
0x57: {  	[hbm:s18], [sflag:s19] =	dma.local [spmem:s20], $0x2800  }
0x58: {  	_ =	swait.ge [sflag:s14], $0x2800  }
0x59: {  	[sflag:s14] =	ssyncset.done $0x0  }
0x5a: {  	[sflag:s14] =	ssyncadd.s32 $0xFFFFD800  }
0x5b: {  	_ =	sfence.sel $0x180000  }
0x5c: {  	[bflag:$0x0] =	sbarrier.arrive $0xFFFF  }
0x5d: {  	p0 =	sne.s32 s0, $0x0;
	_ =	strace $0x9000004D  }
0x5e: {  	s0 =	sadd.s32 @!p0 $0x100000, s1;
	[bflag:$0x2] =	sbarrier.arrive $0xFFFF  }
0x5f: {  	[sflag:s0] =	ssyncadd.tile.s32 @!p0 $0x1;
	_ =	shalt  }
.Lfunc_end2:
_tile_overlayer_lowered:
.L_overlay_start_2:
0x60: {  	(tag) =	ssettag $0x2  }
0x61: {  	s0 =	rddreg [dreg:$0x0];
	s2 =	stileid.u32  }
0x62: {  	s1 =	rddreg [dreg:$0x1];
	p0 =	sne.s32 s2, $0x0  }
0x63: {  	s3 =	rddreg [dreg:$0x2];
	[bflag:$0x3] =	sbarrier.arrive $0xFFFF;
	s2 =	simm.s32 @!p0 $0x1C02  }
0x64: {  	[timem:s3], [sflag:s2] =	dma.local @!p0 [hbm:s0], s1  }
0x65: {  	s0 =	simm.s32 @!p0 $0x2  }
0x66: {  	_ =	swait.ge @!p0 [sflag:s0], s1  }
0x67: {  	s1 =	ssub.s32 @!p0 $0x0, s1;
	[sflag:s0] =	ssyncset.done @!p0 $0x0  }
0x68: {  	[sflag:s0] =	ssyncadd.s32 @!p0 s1  }
0x69: {  	[bflag:$0x3] =	sbarrier.arrive $0xFFFF  }
0x6a: {  	_ =	shalt  }

// kernel: kernel.8.cloned.1.call-start
scs
__scs_entry_jumppad:
0x0: {  	(pc) =	sbr.rel $0x88, $3  }
0x1: {  	(tag) =	ssettag $0x0;
	lr =	simm.s32 $0x1  }
0x2: {  	[smem:$0x3F99] =	sst lr;
	_ =	strace $0xD0000000  }
0x3: {  	_ = 	snop  }
0x4: {  	_ = 	snop  }
0x5: {  	_ = 	snop  }
0x6: {  	_ = 	snop  }
0x7: {  	_ = 	snop  }
__scs_overlays_trampoline_lowered:
0x8: {  	[smem:$0x3FA8] =	sst s0  }
0x9: {  	[smem:$0x3FA9] =	sst s1  }
0xa: {  	[smem:$0x3FAA] =	sst s2  }
0xb: {  	[smem:$0x3FAB] =	sst s3  }
0xc: {  	[smem:$0x3FAC] =	sst s4  }
0xd: {  	[smem:$0x3FAD] =	sst s5  }
0xe: {  	[smem:$0x3FAE] =	sst s6  }
0xf: {  	[smem:$0x3FAF] =	sst s7  }
0x10: {  	[smem:$0x3FB0] =	sst s8  }
0x11: {  	[smem:$0x3FB1] =	sst s9;
	s0 =	simm.s32 @!p0 $0x0  }
0x12: {  	s1 =	sld [smem:$0x3F97];
	s0 =	simm.s32 @p0 $0x1  }
0x13: {  	[smem:$0x3FB2] =	sst s0;
	s0 =	simm.s32 @!p1 $0x0  }
0x14: {  	s2 =	sld [smem:$0x3F96];
	s0 =	simm.s32 @p1 $0x1  }
0x15: {  	[smem:$0x3FB3] =	sst s0;
	s0 =	simm.s32 @!p2 $0x0  }
0x16: {  	s3 =	sld [smem:$0x3FDB];
	s0 =	simm.s32 @p2 $0x1  }
0x17: {  	s4 =	simm.s32 $0x1BF5;
	[smem:$0x3FB5] =	sst s0  }
0x18: {  	s0 =	sld [smem:$0x3F98];
	_ =	swait.ge [sflag:s4], $0x0  }
0x19: {  	s7 =	sld [smem:$0x3F99]  }
0x1a: {  	s8 =	sadd.s32 $0xFFFFE003, lr  }
0x1b: {  	s9 =	sadd.s32 $0xFFFFFEF7, lr;
	s5 =	simm.s32 $0xFFFFFFFF;
	p2 =	slt.u32 s8, $0xFFFFF086  }
0x1c: {  	p1 =	slt.u32 s9, $0xF7A;
	s5 =	simm.s32 @!p2 $0x0  }
0x1d: {  	s5 =	simm.s32 @p1 $0x1;
	p0 =	seq.s32 s7, s2  }
0x1e: {  	s7 =	smul.u32 @!p0 $0xF7A, s2;
	p2 =	seq.s32 @!p0 s5, $0x0  }
0x1f: {  	s9 =	smul.u32 $0xF7A, s1;
	s8 =	simm.s32 @!p0 $0x1BF5;
	p2 =	por !p2, p0  }
0x20: {  	[sflag:s8] =	ssyncset.s32 @!p0 $0xFFFFF086;
	s6 =	sadd.s32 @!p0 s3, s7;
	s7 =	simm.s32 @!p0 $0x108  }
0x21: {  	s3 =	sadd.s32 s3, s9;
	s6 =	sadd.s32 @!p0 $0x88, s6;
	s7 =	simm.s32 @p2 $0x1082  }
0x22: {  	[simem:s7], [sflag:s8] =	dma.local @!p0 [hbm:s6], $0xF7A  }
0x23: {  	s9 =	sor.u32 $0xD0000000, s2;
	s6 =	simm.s32 $0x108;
	_ =	swait.ge @!p0 [sflag:s8], $0x0  }
0x24: {  	s3 =	sadd.s32 $0x88, s3;
	s6 =	simm.s32 @!p1 $0x1082;
	[sflag:s4] =	ssyncset.s32 $0xFFFFF086  }
0x25: {  	[simem:s6], [sflag:s4] =	dma.local [hbm:s3], $0xF7A  }
0x26: {  	[smem:$0x3F99] =	sst s1;
	(tag) =	ssettag s2;
	_ =	strace s9  }
0x27: {  	s1 =	sld [smem:$0x3FA9]  }
0x28: {  	s2 =	sld [smem:$0x3FAA]  }
0x29: {  	s4 =	sld [smem:$0x3FAC]  }
0x2a: {  	p0 =	seq.s32 s5, $0x0;
	s5 =	sld [smem:$0x3FAD]  }
0x2b: {  	s6 =	sld [smem:$0x3FAE]  }
0x2c: {  	s7 =	sld [smem:$0x3FAF]  }
0x2d: {  	s3 =	simm.s32 $0x108;
	s8 =	sld [smem:$0x3FB0]  }
0x2e: {  	s3 =	simm.s32 @!p0 $0x1082;
	s9 =	sld [smem:$0x3FB1]  }
0x2f: {  	lr =	sadd.s32 s0, s3;
	s0 =	sld [smem:$0x3FA8]  }
0x30: {  	s3 =	sld [smem:$0x3FAB]  }
0x31: {  	[smem:$0x3FB4] =	sst s10  }
0x32: {  	s10 =	sld [smem:$0x3FB2];
	_ =	sdelay $0x3  }
0x33: {  	p0 =	seq.s32 s10, $0x1;
	s10 =	sld [smem:$0x3FB4];
	_ =	sdelay $0x3  }
0x34: {  	[smem:$0x3FB4] =	sst s10  }
0x35: {  	s10 =	sld [smem:$0x3FB3];
	_ =	sdelay $0x3  }
0x36: {  	p1 =	seq.s32 s10, $0x1;
	s10 =	sld [smem:$0x3FB4];
	_ =	sdelay $0x3  }
0x37: {  	[smem:$0x3FB4] =	sst s10  }
0x38: {  	s10 =	sld [smem:$0x3FB5]  }
0x39: {  	_ = 	snop;
	(pc) =	sbr.ind lr, $3  }
0x3a: {  	_ = 	snop  }
0x3b: {  	_ = 	snop  }
0x3c: {  	p2 =	seq.s32 s10, $0x1;
	s10 =	sld [smem:$0x3FB4]  }
0x3d: {  	_ =	shalt  }
0x3e: {  	_ =	shalt  }
0x3f: {  	_ =	shalt  }
0x40: {  	_ =	shalt  }
0x41: {  	_ =	shalt  }
0x42: {  	_ =	shalt  }
0x43: {  	_ =	shalt  }
0x44: {  	_ =	shalt  }
0x45: {  	_ =	shalt  }
0x46: {  	_ =	shalt  }
0x47: {  	_ =	shalt  }
0x48: {  	_ =	shalt  }
0x49: {  	_ =	shalt  }
0x4a: {  	_ =	shalt  }
0x4b: {  	_ =	shalt  }
0x4c: {  	_ =	shalt  }
0x4d: {  	_ =	shalt  }
0x4e: {  	_ =	shalt  }
0x4f: {  	_ =	shalt  }
0x50: {  	_ =	shalt  }
0x51: {  	_ =	shalt  }
0x52: {  	_ =	shalt  }
0x53: {  	_ =	shalt  }
0x54: {  	_ =	shalt  }
0x55: {  	_ =	shalt  }
0x56: {  	_ =	shalt  }
0x57: {  	_ =	shalt  }
0x58: {  	_ =	shalt  }
0x59: {  	_ =	shalt  }
0x5a: {  	_ =	shalt  }
0x5b: {  	_ =	shalt  }
0x5c: {  	_ =	shalt  }
0x5d: {  	_ =	shalt  }
0x5e: {  	_ =	shalt  }
0x5f: {  	_ =	shalt  }
0x60: {  	_ =	shalt  }
0x61: {  	_ =	shalt  }
0x62: {  	_ =	shalt  }
0x63: {  	_ =	shalt  }
0x64: {  	_ =	shalt  }
0x65: {  	_ =	shalt  }
0x66: {  	_ =	shalt  }
0x67: {  	_ =	shalt  }
0x68: {  	_ =	shalt  }
0x69: {  	_ =	shalt  }
0x6a: {  	_ =	shalt  }
0x6b: {  	_ =	shalt  }
0x6c: {  	_ =	shalt  }
0x6d: {  	_ =	shalt  }
0x6e: {  	_ =	shalt  }
0x6f: {  	_ =	shalt  }
0x70: {  	_ =	shalt  }
0x71: {  	_ =	shalt  }
0x72: {  	_ =	shalt  }
0x73: {  	_ =	shalt  }
0x74: {  	_ =	shalt  }
0x75: {  	_ =	shalt  }
0x76: {  	_ =	shalt  }
0x77: {  	_ =	shalt  }
0x78: {  	_ =	shalt  }
0x79: {  	_ =	shalt  }
0x7a: {  	_ =	shalt  }
0x7b: {  	_ =	shalt  }
0x7c: {  	_ =	shalt  }
0x7d: {  	_ =	shalt  }
0x7e: {  	_ =	shalt  }
0x7f: {  	_ =	shalt  }
0x80: {  	_ =	shalt  }
0x81: {  	_ =	shalt  }
0x82: {  	_ =	shalt  }
0x83: {  	_ =	shalt  }
0x84: {  	_ =	shalt  }
0x85: {  	_ =	shalt  }
0x86: {  	_ =	shalt  }
0x87: {  	_ =	shalt  }
.Lfunc_end0:
.L_simem_size_0:
called_computation_lowered:
.L_overlay_start_0:
0x88: {  	s2 =	sld [smem:$0x3FD9]  }
0x89: {  	s3 =	sld [smem:$0x3FFE];
	_ =	sdelay $0x1  }
0x8a: {  	s1 =	srdreg.scid  }
0x8b: {  	s0 =	sand.u32 $0x1, s1  }
0x8c: {  	s16 =	sshll.u32 s0, $0xA;
	s2 =	sadd.s32 s3, s2  }
0x8d: {  	s2 =	sadd.s32 s2, s16  }
0x8e: {  	[smem:$0x3FC0] =	sst s2  }
0x8f: {  	_ = 	snop  }
0x90: {  	(tm) =	ssettm $0x1  }
0x91: {  	s17 =	sld [smem:$0x3FFB];
	_ =	sdelay $0x3  }
0x92: {  	_ =	strace s17  }
0x93: {  	s2 =	sld [smem:$0x3FFC];
	_ =	sdelay $0x3  }
0x94: {  	_ =	strace s2  }
0x95: {  	s2 =	sld [smem:$0x3FFD];
	_ =	sdelay $0x3  }
0x96: {  	_ =	strace s2  }
0x97: {  	_ =	strace $0x8FFFFFFF  }
0x98: {  	s18 =	sld [smem:$0x3FDB];
	_ =	sdelay $0x1  }
0x99: {  	s19 =	simm.s32 $_scs_section_size  }
0x9a: {  	s4 =	simm.s32 $_size__tile_overlayer_lowered;
	s5 =	simm.s32 $_tile_overlayer_lowered  }
0x9b: {  	s22 =	simm.s32 $0x1BFF;
	s21 =	sshll.u32 s5, $0x1;
	s2 =	sadd.s32 s19, s18  }
0x9c: {  	s6 =	simm.s32 $0x0;
	s20 =	sshll.u32 s4, $0x1;
	s4 =	sadd.s32 s21, s2  }
0x9d: {  	[timem:s6], [sflag:s22] =	dma.local [hbm:s4], s20  }
0x9e: {  	_ =	swait.ge [sflag:s22], s20  }
0x9f: {  	s3 =	ssub.s32 $0x0, s20;
	[sflag:s22] =	ssyncset.done $0x0  }
0xa0: {  	[sflag:s22] =	ssyncadd.s32 s3;
	_ =	sdelay $0x1  }
0xa1: {  	s23 =	simm.s32 $0x1B8B  }
0xa2: {  	_ =	swait.ge [sflag:s23], $0x1  }
0xa3: {  	[sflag:s23] =	ssyncset.done $0x0  }
0xa4: {  	s25 =	simm.s32 $0x1B8E;
	s24 =	sld [smem:$0x3FFE];
	[sflag:s23] =	ssyncadd.s32 $0xFFFFFFFF  }
0xa5: {  	s26 =	simm.s32 $execute0_lowered;
	[smem:$0x3FD2] =	sst s25  }
0xa6: {  	s4 =	sshll.u32 s26, $0x1;
	_ =	strace $0x80000046;
	[dreg:$0x1] =	wrdreg $0xFFFFFFFF  }
0xa7: {  	s28 =	simm.s32 $_size_execute0_lowered;
	s2 =	sadd.s32 s2, s4;
	[dreg:$0x0] =	wrdreg $0x0  }
0xa8: {  	s4 =	sshll.u32 s28, $0x1;
	[dreg:$0x2] =	wrdreg s2  }
0xa9: {  	[dreg:$0x3] =	wrdreg s4  }
0xaa: {  	[dreg:$0x4] =	wrdreg $0xC0  }
0xab: {  	_ =	task [dreg:s6], $0x5FFFF  }
0xac: {  	[dreg:$0x1] =	wrdreg $0xFFFFFFFF  }
0xad: {  	[dreg:$0x0] =	wrdreg $0x60  }
0xae: {  	[dreg:$0x2] =	wrdreg s24  }
0xaf: {  	[dreg:$0x3] =	wrdreg $0x2B000  }
0xb0: {  	[dreg:$0x4] =	wrdreg $0x9  }
0xb1: {  	_ =	task.clear_ibuf [dreg:s6], $0x5FFFF;
	_ =	strace $0x90000046  }
0xb2: {  	s29 =	simm.s32 $0x9;
	_ =	strace $0x80000048  }
0xb3: {  	_ =	swait.ge [sflag:s29], $0x1  }
0xb4: {  	[sflag:s29] =	ssyncadd.s32 $0xFFFFFFFF  }
0xb5: {  	_ =	strace $0x90000048  }
0xb6: {  	_ =	sfence  }
0xb7: {  	s30 =	sld [smem:$0x0];
	_ =	sdelay $0x2  }
0xb8: {  	s31 =	sshll.u32 s1, $0xD;
	s1 =	sshrl.u32 s1, $0x2  }
0xb9: {  	s3 =	sand.u32 $0x4000, s31;
	s1 =	sadd.s32 s1, s30  }
0xba: {  	s0 =	sor.u32 s3, s0;
	s1 =	sshll.u32 s1, $0x11  }
0xbb: {  	s0 =	sor.u32 s1, s0  }
0xbc: {  	s0 =	sadd.s32 $0x8F2B, s0  }
0xbd: {  	[sflag:s0] =	ssyncadd.remote.s32 $0x1  }
0xbe: {  	_ =	sfence.sel $0xFFFF  }
0xbf: {  	[dreg:$0x0] =	wrdreg $0xFFFFFFFF;
	(pc) =	sbr.abs _section_cstart, $3  }
0xc0: {  	[dreg:$0x1] =	wrdreg $0xFFFFFFFF  }
0xc1: {  	_ =	task.clear_ibuf [dreg:s6], $0x2FFFF;
	_ =	strace $0x9FFFFFFF  }
0xc2: {  	(tm) =	ssettm $0x7FFFFFFF  }
0xc3: {  	_ =	shalt  }
tec
execute0_lowered:
.L_overlay_start_1:
0x0: {  	(tag) =	ssettag $0x1  }
0x1: {  	s3 =	rddreg [dreg:$0x0];
	s0 =	srdreg.scid  }
0x2: {  	s10 =	stileid.u32;
	s1 =	rddreg [dreg:$0x1]  }
0x3: {  	s2 =	simm.s32 $0x0;
	s9 =	simm.s32 $0x80;
	s12 =	simm.s32 $0x0  }
0x4: {  	s4 =	sand.u32 $0x1, s0;
	s5 =	sshll.u32 s10, $0x1;
	s0 =	rddreg [dreg:$0x2]  }
0x5: {  	[smem:$0x7FF] =	sst s2;
	s6 =	smul.u32 $0xA00, s10;
	p0 =	sne.s32 s10, $0x0  }
0x6: {  	s10 =	simm.s32 $0x2800;
	s5 =	sor.u32 s4, s5;
	_ =	strace $0x80000047  }
0x7: {  	s7 =	sshll.u32 s4, $0x4;
	s4 =	ssub.s32 $0x2, s4;
	s5 =	smul.u32 $0x500, s5  }
0x8: {  	s11 =	sshrl.u32 @!p0 s1, $0x3;
	s7 =	sadd.s32 s7, s3;
	s31 =	sshrl.u32 s4, $0x1  }
0x9: {  	s6 =	sshrl.u32 s6, $0x2;
	s8 =	ssub.s32 s4, s31;
	s5 =	sadd.s32 s5, s3  }
0xa: {  	s3 =	sadd.s32 s6, s1;
	s6 =	smax.u32 s8, $0x1;
	s8 =	simm.s32 $0x1  }
0xb: {  	v0 =	vimm.f32 $1.000000000e+00;
	v1 =	vimm.f32 $0.0e+00;
	s4 =	sadd.s32 $0x3C00, s5;
	s5 =	sadd.s32 $0xDC00, s7;
	s7 =	simm.s32 $0x2880  }
.LBB2_1:
0xc: {  	[tilespmem:$0x2800] =	vst v0  }
0xd: {  	[tilespmem:$0x2810] =	vst v0  }
0xe: {  	[tilespmem:$0x2820] =	vst v0  }
0xf: {  	[tilespmem:$0x2830] =	vst v0  }
0x10: {  	[tilespmem:$0x2840] =	vst v0  }
0x11: {  	[tilespmem:$0x2850] =	vst v0  }
0x12: {  	[tilespmem:$0x2860] =	vst v0  }
0x13: {  	[tilespmem:$0x2870] =	vst v0  }
0x14: {  	[tilespmem:$0x2880] =	vst v1  }
0x15: {  	[tilespmem:$0x2890] =	vst v1  }
0x16: {  	[tilespmem:$0x28A0] =	vst v1  }
0x17: {  	[tilespmem:$0x28B0] =	vst v1  }
0x18: {  	[tilespmem:$0x28C0] =	vst v1  }
0x19: {  	[tilespmem:$0x28D0] =	vst v1  }
0x1a: {  	[tilespmem:$0x28E0] =	vst v1  }
0x1b: {  	[tilespmem:$0x28F0] =	vst v1  }
0x1c: {  	[tilespmem:$0x2900] =	vst v1  }
0x1d: {  	[tilespmem:$0x2910] =	vst v1  }
0x1e: {  	[tilespmem:$0x2920] =	vst v1  }
0x1f: {  	[tilespmem:$0x2930] =	vst v1  }
0x20: {  	[tilespmem:$0x2940] =	vst v1  }
0x21: {  	[tilespmem:$0x2950] =	vst v1  }
0x22: {  	[tilespmem:$0x2960] =	vst v1  }
0x23: {  	[tilespmem:$0x2970] =	vst v1  }
0x24: {  	[tilespmem:$0x2980] =	vst v1  }
0x25: {  	[tilespmem:$0x2990] =	vst v1  }
0x26: {  	[tilespmem:$0x29A0] =	vst v1  }
0x27: {  	[tilespmem:$0x29B0] =	vst v1  }
0x28: {  	[tilespmem:$0x29C0] =	vst v1  }
0x29: {  	[tilespmem:$0x29D0] =	vst v1  }
0x2a: {  	[tilespmem:$0x29E0] =	vst v1  }
0x2b: {  	[tilespmem:$0x29F0] =	vst v1  }
0x2c: {  	[tilespmem:$0x2A00] =	vst v1  }
0x2d: {  	[tilespmem:$0x2A10] =	vst v1  }
0x2e: {  	[tilespmem:$0x2A20] =	vst v1  }
0x2f: {  	[tilespmem:$0x2A30] =	vst v1  }
0x30: {  	[tilespmem:$0x2A40] =	vst v1  }
0x31: {  	[tilespmem:$0x2A50] =	vst v1  }
0x32: {  	[tilespmem:$0x2A60] =	vst v1  }
0x33: {  	[tilespmem:$0x2A70] =	vst v1  }
0x34: {  	[tilespmem:$0x2A80] =	vst v1  }
0x35: {  	[tilespmem:$0x2A90] =	vst v1  }
0x36: {  	[tilespmem:$0x2AA0] =	vst v1  }
0x37: {  	[tilespmem:$0x2AB0] =	vst v1  }
0x38: {  	[tilespmem:$0x2AC0] =	vst v1  }
0x39: {  	[tilespmem:$0x2AD0] =	vst v1  }
0x3a: {  	[tilespmem:$0x2AE0] =	vst v1  }
0x3b: {  	[tilespmem:$0x2AF0] =	vst v1  }
0x3c: {  	[spmem:s3] =	stream.linear.scatter [tilespmem:s7], [sflag:$0x1], $0x280, $0x38;
	[tilespmem:$0x2D80] =	vst v63  }
0x3d: {  	_ =	swait.ge [sflag:s8], $0x280  }
0x3e: {  	[sflag:s8] =	ssyncset.done $0x0  }
0x3f: {  	[sflag:s8] =	ssyncadd.s32 $0xFFFFFD80  }
0x40: {  	[bflag:$0x0] =	sbarrier.arrive $0xFFFF  }
0x41: {  	[tilespmem:s2], [sflag:$0x1] =	stream.linear.gather [hbm4b:s4+s2], $0x2800, $0x38;
	[tilespmem:$0x2D80] =	vst v63  }
0x42: {  	_ =	swait.ge [sflag:s8], $0x2800  }
0x43: {  	[sflag:s8] =	ssyncset.done $0x0  }
0x44: {  	s13 =	simm.s32 $0x0;
	[sflag:s8] =	ssyncadd.s32 $0xFFFFD800  }
0x45: {  	[spmem:s1] =	stream.indirect.scatter.add.f32 [tilespmem:s10], [sflag:$0x1], $0x1, s13, s9, $0xb8;
	[tilespmem:$0x2D80] =	vst v63  }
0x46: {  	_ =	swait.ge [sflag:s8], $0x80  }
0x47: {  	s13 =	simm.s32 $0x200;
	[sflag:s8] =	ssyncset.done $0x0  }
.LBB2_2:
0x48: {  	s14 =	sshra.s32 s13, $0x2;
	[sflag:s8] =	ssyncadd.s32 $0xFFFFFF80;
	p1 =	sne.s32 s13, $0x9E00  }
0x49: {  	[spmem:s1] =	stream.indirect.scatter.add.f32 [tilespmem:s10], [sflag:$0x1], $0x1, s14, s9, $0xb8;
	[tilespmem:$0x2D80] =	vst v63  }
.Ltmp0:
0x4a: {  	_ = 	snop;
	(pc) =	sbr.rel @p1 .LBB2_2-.Ltmp0, $4  }
0x4b: {  	_ = 	snop  }
0x4c: {  	s13 =	sadd.s32 $0x200, s13  }
0x4d: {  	_ =	swait.ge [sflag:s8], $0x80  }
0x4e: {  	[sflag:s8] =	ssyncset.done $0x0  }
0x4f: {  	[sflag:s8] =	ssyncadd.s32 $0xFFFFFF80;
	s13 =	simm.s32 @!p0 $0x1;
	s12 =	sadd.s32 $0x1, s12  }
0x50: {  	s14 =	simm.s32 @!p0 $0x20;
	s15 =	simm.s32 @!p0 $0x10;
	p1 =	sne.s32 s12, s6  }
.Ltmp1:
0x51: {  	s16 =	simm.s32 @!p0 $0x1C01;
	[bflag:$0x0] =	sbarrier.arrive $0xFFFF;
	(pc) =	sbr.rel @p1 .LBB2_1-.Ltmp1, $4  }
0x52: {  	[hbm:s5@s14], [sflag:s16] =	dma.strided @!p0 [spmem:s11@s15], $0x500, s13, $0x10   }
0x53: {  	_ =	swait.ge @!p0 [sflag:s13], $0x500  }
0x54: {  	[sflag:s13] =	ssyncset.done @!p0 $0x0  }
0x55: {  	[sflag:s13] =	ssyncadd.s32 @!p0 $0xFFFFFB00  }
0x56: {  	_ =	sfence.sel $0x180000  }
0x57: {  	[bflag:$0x0] =	sbarrier.arrive $0xFFFF  }
0x58: {  	_ =	strace $0x90000047  }
0x59: {  	s0 =	sadd.s32 @!p0 $0x100000, s0;
	[bflag:$0x2] =	sbarrier.arrive $0xFFFF  }
0x5a: {  	[sflag:s0] =	ssyncadd.tile.s32 @!p0 $0x1;
	_ =	shalt  }
.Lfunc_end2:
_tile_overlayer_lowered:
.L_overlay_start_2:
0x5b: {  	(tag) =	ssettag $0x2  }
0x5c: {  	s0 =	rddreg [dreg:$0x0];
	s2 =	stileid.u32  }
0x5d: {  	s1 =	rddreg [dreg:$0x1];
	p0 =	sne.s32 s2, $0x0  }
0x5e: {  	s3 =	rddreg [dreg:$0x2];
	[bflag:$0x3] =	sbarrier.arrive $0xFFFF;
	s2 =	simm.s32 @!p0 $0x1C01  }
0x5f: {  	[timem:s3], [sflag:s2] =	dma.local @!p0 [hbm:s0], s1  }
0x60: {  	s0 =	simm.s32 @!p0 $0x1  }
0x61: {  	_ =	swait.ge @!p0 [sflag:s0], s1  }
0x62: {  	s1 =	ssub.s32 @!p0 $0x0, s1;
	[sflag:s0] =	ssyncset.done @!p0 $0x0  }
0x63: {  	[sflag:s0] =	ssyncadd.s32 @!p0 s1  }
0x64: {  	[bflag:$0x3] =	sbarrier.arrive $0xFFFF  }
0x65: {  	_ =	shalt  }

</sc_bundles>
